<compile_context>
chip_gen: v7x
topology: tpu7x:2x2x1
jax: 0.10.2.dev20260603
libtpu: 0.0.44.dev20260713+nightly
codegen_flags: <defaults>
</compile_context>

<pallas_src>
import functools

import jax
import jax.numpy as jnp
import numpy as np
from jax import lax
from jax.experimental import pallas as pl
from jax.experimental.pallas import tpu as pltpu
from jax.experimental.pallas import tpu_sc as plsc

B, S, H, D = 4, 8192, 64, 6
N = B * S

_MARKET_VEC = (0.5, -1.0, 0.8, 0.6, 1.5, 0.4)
_RISK_VEC = (0.5, -0.8, 0.6, 1.0, 1.2, 0.5)


def _noise_np():
    def rotl(x, r):
        return ((x << np.uint32(r)) | (x >> np.uint32(32 - r))).astype(np.uint32)

    ks = [np.uint32(0), np.uint32(42),
          np.uint32(0) ^ np.uint32(42) ^ np.uint32(0x1BD11BDA)]
    rotations = [[13, 15, 26, 6], [17, 29, 16, 24]]
    x0 = np.full(N, ks[0], np.uint32)
    x1 = (np.arange(N, dtype=np.uint32) + ks[1]).astype(np.uint32)
    for i in range(5):
        for r in rotations[i % 2]:
            x0 = (x0 + x1).astype(np.uint32)
            x1 = rotl(x1, r) ^ x0
        x0 = (x0 + ks[(i + 1) % 3]).astype(np.uint32)
        x1 = (x1 + ks[(i + 2) % 3] + np.uint32(i + 1)).astype(np.uint32)
    bits = x0 ^ x1

    floats = ((bits >> np.uint32(9)) | np.uint32(0x3F800000)).view(np.float32)
    floats = floats - np.float32(1.0)
    lo = np.nextafter(np.float32(-1), np.float32(0))
    u = np.maximum(lo, (floats * (np.float32(1.0) - lo) + lo).astype(np.float32))

    x = u.astype(np.float64)
    w = -np.log((1.0 - x) * (1.0 + x))
    ws = w - 2.5
    p_small = 2.81022636e-08
    for c in (3.43273939e-07, -3.5233877e-06, -4.39150654e-06, 0.00021858087,
              -0.00125372503, -0.00417768164, 0.246640727, 1.50140941):
        p_small = p_small * ws + c
    wb = np.sqrt(np.maximum(w, 5.0)) - 3.0
    p_big = -0.000200214257
    for c in (0.000100950558, 0.00134934322, -0.00367342844, 0.00573950773,
              -0.0076224613, 0.00943887047, 1.00167406, 2.83297682):
        p_big = p_big * wb + c
    erfinv = np.where(w < 5.0, p_small, p_big) * x
    return (np.sqrt(2.0) * erfinv * 0.05).astype(np.float32).reshape(1, N)


_NOISE = _noise_np()


def _fast_sin(x):
    k = jnp.floor(x * 0.3183098861837907 + 0.5)
    r = x - k * 3.140625 - k * 9.676535897932e-4
    ki = k.astype(jnp.int32)
    sign = jnp.where((ki & 1) == 0, 1.0, -1.0)
    r2 = r * r
    s = r + r * r2 * (-0.16666667 + r2 * (8.3333310e-3
                      + r2 * (-1.98408e-4 + r2 * 2.7526e-6)))
    return sign * s


def _stats_kernel(x_ref, wext_ref, b_ref, mv_ref, risk_ref, stats_ref):
    xt = x_ref[0]
    wext = wext_ref[...]
    stats = jnp.dot(wext, xt, preferred_element_type=jnp.float32)

    def _dvec(vals):
        di = jax.lax.broadcasted_iota(jnp.int32, (D, 1), 0)
        out = jnp.full((D, 1), vals[0] * 0.3, jnp.float32)
        for k in range(1, D):
            out = jnp.where(di == k, vals[k] * 0.3, out)
        return out

    logits = (stats[0:D, :] + b_ref[...]
              + mv_ref[0] * _dvec(_MARKET_VEC)
              + risk_ref[:, 0, 0, :] * _dvec(_RISK_VEC))
    m = stats[D:D + 1, :]
    m4 = stats[D + 1:D + 2, :]
    m6 = stats[D + 2:D + 3, :]
    m8 = stats[D + 3:D + 4, :]
    m610 = stats[D + 4:D + 5, :]

    sumsq = jnp.sum(xt * xt, axis=0, keepdims=True)
    var = (sumsq * (1.0 / H) - m * m) * (H / (H - 1.0))
    std = jnp.sqrt(jnp.maximum(var, 0.0))

    t3 = jnp.tanh(jnp.concatenate([m4, m8, std], axis=0))
    sig = jax.nn.sigmoid(m)
    sinv = _fast_sin(m610 * 3.14159)
    powv = jnp.maximum(m, 0.0) ** 1.2

    stats_ref[...] = jnp.concatenate([
        logits,
        sig,
        t3[0:1, :],
        m6,
        sinv,
        t3[1:2, :],
        std,
        t3[2:3, :],
        powv,
        jnp.zeros_like(sig), jnp.zeros_like(sig),
    ], axis=0)[:, None, None, :]


NW = 32
TOK_W = N // NW
NG = TOK_W // 16


def _sc_route(stats_hbm, noise_hbm, preds_hbm, assign_hbm, probs_hbm,
              stats_v, noise_v, preds_v, assign_v, probs_v):
    wid = lax.axis_index("s") * 2 + lax.axis_index("c")
    base = wid * TOK_W
    pltpu.sync_copy(stats_hbm.at[:, pl.ds(base, TOK_W)], stats_v)
    pltpu.sync_copy(noise_hbm.at[0, pl.ds(base, TOK_W)], noise_v)

    def body(g, carry):
        off = pl.multiple_of(g * 16, 16)
        sl = pl.ds(off, 16)
        l = [stats_v[r, sl] for r in range(D)]
        sig = stats_v[6, sl]
        t_m4 = stats_v[7, sl]
        m6 = stats_v[8, sl]
        sinv = stats_v[9, sl]
        t_m8 = stats_v[10, sl]
        std = stats_v[11, sl]
        t_std = stats_v[12, sl]
        powv = stats_v[13, sl]
        noise = noise_v[sl]

        lmax = jnp.maximum(jnp.maximum(jnp.maximum(l[0], l[1]),
                                       jnp.maximum(l[2], l[3])),
                           jnp.maximum(l[4], l[5]))
        z = [jnp.exp((lk - lmax) * (1.0 / 0.6)) for lk in l]
        zsum = ((z[0] + z[1]) + (z[2] + z[3])) + (z[4] + z[5])
        zinv = 1.0 / zsum

        idx = jnp.zeros((16,), jnp.int32)
        best = l[0]
        for k in range(1, D):
            gt = l[k] > best
            idx = jnp.where(gt, jnp.int32(k), idx)
            best = jnp.where(gt, l[k], best)

        d0 = t_m4 * (1.0 + std)
        d1 = sig * 0.3 - 0.15
        d2 = m6 * 0.8 + sinv * 0.4
        d3 = t_m8 * 0.9 + noise
        d4 = powv + std * 2.5 - 0.5
        d5 = sig * 0.4 + t_std * 0.2
        pred = jnp.where(idx == 0, d0, 0.0)
        pred = jnp.where(idx == 1, d1, pred)
        pred = jnp.where(idx == 2, d2, pred)
        pred = jnp.where(idx == 3, d3, pred)
        pred = jnp.where(idx == 4, d4, pred)
        pred = jnp.where(idx == 5, d5, pred)

        preds_v[sl] = pred
        assign_v[sl] = idx
        for dd in range(D):
            probs_v[dd, sl] = z[dd] * zinv
        return carry

    lax.fori_loop(0, NG, body, 0)

    pltpu.sync_copy(preds_v, preds_hbm.at[0, pl.ds(base, TOK_W)])
    pltpu.sync_copy(assign_v, assign_hbm.at[0, pl.ds(base, TOK_W)])
    pltpu.sync_copy(probs_v, probs_hbm.at[:, pl.ds(base, TOK_W)])


@functools.partial(jax.jit, static_argnames=("interpret",))
def kernel(sequence_embeddings, market_volatility, risk_factors, W, b,
           interpret=False):
    xt3 = sequence_embeddings.transpose(0, 2, 1)
    riskt = risk_factors.transpose(2, 0, 1).reshape(D, B, 1, S)
    mv3 = market_volatility.reshape(B, 1, S)

    col = jnp.arange(H)[None, :]
    sel = jnp.concatenate([
        (col < H).astype(jnp.float32) / H,
        (col < 4).astype(jnp.float32) / 4.0,
        (col < 6).astype(jnp.float32) / 6.0,
        (col < 8).astype(jnp.float32) / 8.0,
        ((col >= 6) & (col < 10)).astype(jnp.float32) / 4.0,
        jnp.zeros((1, H), jnp.float32),
    ], axis=0)
    wext = jnp.concatenate([W, sel], axis=0)

    TB = 4096
    stats = pl.pallas_call(
        _stats_kernel,
        grid=(B, S // TB),
        in_specs=[
            pl.BlockSpec((1, H, TB), lambda bi, j: (bi, 0, j)),
            pl.BlockSpec((12, H), lambda bi, j: (0, 0)),
            pl.BlockSpec((D, 1), lambda bi, j: (0, 0)),
            pl.BlockSpec((1, 1, TB), lambda bi, j: (bi, 0, j)),
            pl.BlockSpec((D, 1, 1, TB), lambda bi, j: (0, bi, 0, j)),
        ],
        out_specs=pl.BlockSpec((16, 1, 1, TB), lambda bi, j: (0, bi, 0, j)),
        out_shape=jax.ShapeDtypeStruct((16, B, 1, S), jnp.float32),
        interpret=interpret,
    )(xt3, wext, b.reshape(D, 1), mv3, riskt)
    stats = stats.reshape(16, N)

    mesh = plsc.VectorSubcoreMesh(core_axis_name="c", subcore_axis_name="s")
    route = pl.kernel(
        _sc_route,
        mesh=mesh,
        out_type=[
            jax.ShapeDtypeStruct((1, N), jnp.float32),
            jax.ShapeDtypeStruct((1, N), jnp.int32),
            jax.ShapeDtypeStruct((D, N), jnp.float32),
        ],
        scratch_types=[
            pltpu.VMEM((16, TOK_W), jnp.float32),
            pltpu.VMEM((TOK_W,), jnp.float32),
            pltpu.VMEM((TOK_W,), jnp.float32),
            pltpu.VMEM((TOK_W,), jnp.int32),
            pltpu.VMEM((D, TOK_W), jnp.float32),
        ],
    )
    preds, assign, probs = route(stats, _NOISE)

    return (preds.reshape(B, S, 1),
            assign.reshape(B, S),
            probs.T.reshape(B, S, D))

# --- scband reference (transcript-rebuilt; emitter-appended) ---
"""Pipeline reference for scband-finance-mo-emodel-70076686401600 (READ-ONLY COPY).

The authoritative reference and input builder live on the scoring server;
editing this copy changes nothing except your own understanding.
"""

import jax, jax.numpy as jnp
import numpy as np

B, S, H, D = 4, 8192, 64, 6


def setup_inputs(seed: int = 0) -> dict:
    key = jax.random.key(seed)
    k1, k2, k3, k4 = jax.random.split(key, 4)
    return {
        'sequence_embeddings': jax.random.normal(k1, (B, S, H), dtype=jnp.float32),
        'market_volatility': jax.random.uniform(k2, (B, S), dtype=jnp.float32),
        'risk_factors': jax.random.normal(k3, (B, S, D), dtype=jnp.float32),
        'W': jax.random.normal(k4, (D, H), dtype=jnp.float32) * 0.03,
        'b': jnp.zeros((D,), dtype=jnp.float32),
    }


def _simulate_expert_predictions(emb, assignments):
    preds = jnp.zeros(emb.shape[:2] + (1,), dtype=jnp.float32)
    mean_all = jnp.mean(emb, axis=-1, keepdims=True)
    std_all = jnp.std(emb, axis=-1, keepdims=True, ddof=1)
    # domain 0: Equities
    momentum = jnp.mean(emb[:, :, :4], axis=-1, keepdims=True)
    d0 = jnp.tanh(momentum) * (1.0 + std_all)
    # domain 1: Fixed Income
    d1 = jax.nn.sigmoid(mean_all) * 0.3 - 0.15
    # domain 2: Commodities
    trend2 = jnp.mean(emb[:, :, :6], axis=-1, keepdims=True)
    cycle = jnp.sin(jnp.mean(emb[:, :, 6:10], axis=-1, keepdims=True) * 3.14159)
    d2 = trend2 * 0.8 + cycle * 0.4
    # domain 3: FX (noise ~ torch.randn_like * 0.05, fixed key)
    trend3 = jnp.mean(emb[:, :, :8], axis=-1, keepdims=True)
    noise = jax.random.normal(jax.random.key(42), trend3.shape, dtype=jnp.float32) * 0.05
    d3 = jnp.tanh(trend3) * 0.9 + noise
    # domain 4: Derivatives
    d4 = jnp.maximum(mean_all, 0.0) ** 1.2 + std_all * 2.5 - 0.5
    # domain 5: Credit
    d5 = jax.nn.sigmoid(mean_all) * 0.4 + jnp.tanh(std_all) * 0.2
    domain_preds = [d0, d1, d2, d3, d4, d5]
    for domain_id in range(D):
        mask = (assignments == domain_id).astype(jnp.float32)[..., None]
        preds = preds + domain_preds[domain_id] * mask
    return preds


def reference(sequence_embeddings, market_volatility, risk_factors, W, b):
    market_vec = jnp.array([0.5, -1.0, 0.8, 0.6, 1.5, 0.4], dtype=jnp.float32)
    risk_vec = jnp.array([0.5, -0.8, 0.6, 1.0, 1.2, 0.5], dtype=jnp.float32)
    routing_logits = jnp.einsum('bsh,dh->bsd', sequence_embeddings, W) + b
    routing_logits = routing_logits + market_volatility[..., None] * market_vec * 0.3
    routing_logits = routing_logits + risk_factors * risk_vec * 0.3
    routing_probs = jax.nn.softmax(routing_logits / 0.6, axis=-1)
    domain_assignments = jnp.argmax(routing_logits, axis=-1).astype(jnp.int32)
    predictions = _simulate_expert_predictions(sequence_embeddings, domain_assignments)
    return predictions, domain_assignments, routing_probs

if __name__ == "__main__":
    import jax
    _d = setup_inputs()
    print(jax.jit(kernel)(*tuple(_d.values())))

</pallas_src>

<mosaic_0001>
#map = affine_map<(d0, d1) -> (0, 0)>
module attributes {stable_mosaic.version = 14 : i64} {
  func.func @_sc_route(%arg0: i32, %arg1: i32, %arg2: memref<16x32768xf32, #tpu.memory_space<hbm>>, %arg3: memref<1x32768xf32, #tpu.memory_space<hbm>>, %arg4: memref<1x32768xf32, #tpu.memory_space<hbm>>, %arg5: memref<1x32768xi32, #tpu.memory_space<hbm>>, %arg6: memref<6x32768xf32, #tpu.memory_space<hbm>>, %arg7: memref<16x1024xf32, #tpu.memory_space<vmem>>, %arg8: memref<1024xf32, #tpu.memory_space<vmem>>, %arg9: memref<1024xf32, #tpu.memory_space<vmem>>, %arg10: memref<1024xi32, #tpu.memory_space<vmem>>, %arg11: memref<6x1024xf32, #tpu.memory_space<vmem>>) attributes {dimension_semantics = [#tpu.dimension_semantics<core_parallel>, #tpu.dimension_semantics<subcore_parallel>], iteration_bounds = array<i64: 2, 16>, scalar_prefetch = 0 : i64, scratch_operands = 5 : i64, tpu.core_type = #tpu.core_type<sc_vector_subcore>, window_params = [{transform_indices = #map}, {transform_indices = #map}, {transform_indices = #map}, {transform_indices = #map}, {transform_indices = #map}]} {
    %mul3A = arith.constant 2 : i32
    %mul3A_0 = arith.muli %arg1, %mul3A : i32
    %add3A = arith.addi %mul3A_0, %arg0 : i32
    %mul3A_1 = arith.constant 1024 : i32
    %mul3A_2 = arith.muli %add3A, %mul3A_1 : i32
    "tpu.region"() ({
      %run_scoped3A_10 = tpu.sem_alloc : memref<!tpu.dma_semaphore, #tpu.memory_space<semaphore_mem>>
      %dma_start3A = arith.constant 0 : i32
      %dma_start3A_11 = tpu.memref_slice %arg2[%dma_start3A, %mul3A_2] : memref<16x32768xf32, #tpu.memory_space<hbm>> -> memref<16x1024xf32, #tpu.memory_space<hbm>>
      %dma_start3A_12 = arith.constant 0 : i32
      %dma_start3A_13 = tpu.memref_slice %arg2[%dma_start3A_12, %mul3A_2] : memref<16x32768xf32, #tpu.memory_space<hbm>> -> memref<16x1024xf32, #tpu.memory_space<hbm>>
      tpu.enqueue_dma source(%dma_start3A_13 : memref<16x1024xf32, #tpu.memory_space<hbm>>) target(%arg7 : memref<16x1024xf32, #tpu.memory_space<vmem>>) target_semaphore(%run_scoped3A_10 : memref<!tpu.dma_semaphore, #tpu.memory_space<semaphore_mem>>)
      %dma_wait3A = arith.constant 0 : i32
      %dma_wait3A_14 = tpu.memref_slice %arg2[%dma_wait3A, %mul3A_2] : memref<16x32768xf32, #tpu.memory_space<hbm>> -> memref<16x1024xf32, #tpu.memory_space<hbm>>
      %dma_wait3A_15 = arith.constant 0 : i32
      %dma_wait3A_16 = tpu.memref_slice %arg2[%dma_wait3A_15, %mul3A_2] : memref<16x32768xf32, #tpu.memory_space<hbm>> -> memref<16x1024xf32, #tpu.memory_space<hbm>>
      tpu.wait_dma2 semaphore(%run_scoped3A_10 : memref<!tpu.dma_semaphore, #tpu.memory_space<semaphore_mem>>) src(%dma_wait3A_16 : memref<16x1024xf32, #tpu.memory_space<hbm>>) dst(%arg7 : memref<16x1024xf32, #tpu.memory_space<vmem>>)
      tpu.yield
    }) : () -> ()
    %run_scoped3A = arith.constant 0 : i32
    "tpu.region"() ({
      %run_scoped3A_10 = tpu.sem_alloc : memref<!tpu.dma_semaphore, #tpu.memory_space<semaphore_mem>>
      %dma_start3A = tpu.memref_slice %arg3[%run_scoped3A, %mul3A_2] : memref<1x32768xf32, #tpu.memory_space<hbm>> -> memref<1x1024xf32, #tpu.memory_space<hbm>>
      %dma_start3A_11 = tpu.memref_squeeze %dma_start3A : memref<1x1024xf32, #tpu.memory_space<hbm>> -> memref<1024xf32, #tpu.memory_space<hbm>>
      %dma_start3A_12 = tpu.memref_slice %arg3[%run_scoped3A, %mul3A_2] : memref<1x32768xf32, #tpu.memory_space<hbm>> -> memref<1x1024xf32, #tpu.memory_space<hbm>>
      %dma_start3A_13 = tpu.memref_squeeze %dma_start3A_12 : memref<1x1024xf32, #tpu.memory_space<hbm>> -> memref<1024xf32, #tpu.memory_space<hbm>>
      tpu.enqueue_dma source(%dma_start3A_13 : memref<1024xf32, #tpu.memory_space<hbm>>) target(%arg8 : memref<1024xf32, #tpu.memory_space<vmem>>) target_semaphore(%run_scoped3A_10 : memref<!tpu.dma_semaphore, #tpu.memory_space<semaphore_mem>>)
      %dma_wait3A = tpu.memref_slice %arg3[%run_scoped3A, %mul3A_2] : memref<1x32768xf32, #tpu.memory_space<hbm>> -> memref<1x1024xf32, #tpu.memory_space<hbm>>
      %dma_wait3A_14 = tpu.memref_squeeze %dma_wait3A : memref<1x1024xf32, #tpu.memory_space<hbm>> -> memref<1024xf32, #tpu.memory_space<hbm>>
      %dma_wait3A_15 = tpu.memref_slice %arg3[%run_scoped3A, %mul3A_2] : memref<1x32768xf32, #tpu.memory_space<hbm>> -> memref<1x1024xf32, #tpu.memory_space<hbm>>
      %dma_wait3A_16 = tpu.memref_squeeze %dma_wait3A_15 : memref<1x1024xf32, #tpu.memory_space<hbm>> -> memref<1024xf32, #tpu.memory_space<hbm>>
      tpu.wait_dma2 semaphore(%run_scoped3A_10 : memref<!tpu.dma_semaphore, #tpu.memory_space<semaphore_mem>>) src(%dma_wait3A_16 : memref<1024xf32, #tpu.memory_space<hbm>>) dst(%arg8 : memref<1024xf32, #tpu.memory_space<vmem>>)
      tpu.yield
    }) : () -> ()
    %scan3A = arith.constant 0 : i32
    %scan3A_3 = arith.constant 0 : i32
    %scan3A_4 = arith.constant 64 : i32
    %scan3A_5 = arith.addi %scan3A_3, %scan3A_4 : i32
    %scan3A_6 = arith.constant 1 : i32
    scf.for %scan3A_10 = %scan3A_3 to %scan3A_5 step %scan3A_6  : i32 {
      %mul3A_11 = arith.constant 16 : i32
      %mul3A_12 = arith.muli %scan3A_10, %mul3A_11 : i32
      %multiple_of3A = tpu.assume_multiple %mul3A_12, 16 : i32
      %get3A = arith.constant 0 : i32
      %get3A_13 = arith.index_cast %get3A : i32 to index
      %get3A_14 = arith.index_cast %multiple_of3A : i32 to index
      %get3A_15 = tpu.vector_load %arg7[%get3A_13, %get3A_14] {strides = array<i32>} : memref<16x1024xf32, #tpu.memory_space<vmem>>, vector<1x16xf32>,
      %get3A_16 = vector.shape_cast %get3A_15 : vector<1x16xf32> to vector<16xf32>
      %get3A_17 = arith.constant 1 : i32
      %get3A_18 = arith.index_cast %get3A_17 : i32 to index
      %get3A_19 = arith.index_cast %multiple_of3A : i32 to index
      %get3A_20 = tpu.vector_load %arg7[%get3A_18, %get3A_19] {strides = array<i32>} : memref<16x1024xf32, #tpu.memory_space<vmem>>, vector<1x16xf32>,
      %get3A_21 = vector.shape_cast %get3A_20 : vector<1x16xf32> to vector<16xf32>
      %get3A_22 = arith.constant 2 : i32
      %get3A_23 = arith.index_cast %get3A_22 : i32 to index
      %get3A_24 = arith.index_cast %multiple_of3A : i32 to index
      %get3A_25 = tpu.vector_load %arg7[%get3A_23, %get3A_24] {strides = array<i32>} : memref<16x1024xf32, #tpu.memory_space<vmem>>, vector<1x16xf32>,
      %get3A_26 = vector.shape_cast %get3A_25 : vector<1x16xf32> to vector<16xf32>
      %get3A_27 = arith.constant 3 : i32
      %get3A_28 = arith.index_cast %get3A_27 : i32 to index
      %get3A_29 = arith.index_cast %multiple_of3A : i32 to index
      %get3A_30 = tpu.vector_load %arg7[%get3A_28, %get3A_29] {strides = array<i32>} : memref<16x1024xf32, #tpu.memory_space<vmem>>, vector<1x16xf32>,
      %get3A_31 = vector.shape_cast %get3A_30 : vector<1x16xf32> to vector<16xf32>
      %get3A_32 = arith.constant 4 : i32
      %get3A_33 = arith.index_cast %get3A_32 : i32 to index
      %get3A_34 = arith.index_cast %multiple_of3A : i32 to index
      %get3A_35 = tpu.vector_load %arg7[%get3A_33, %get3A_34] {strides = array<i32>} : memref<16x1024xf32, #tpu.memory_space<vmem>>, vector<1x16xf32>,
      %get3A_36 = vector.shape_cast %get3A_35 : vector<1x16xf32> to vector<16xf32>
      %get3A_37 = arith.constant 5 : i32
      %get3A_38 = arith.index_cast %get3A_37 : i32 to index
      %get3A_39 = arith.index_cast %multiple_of3A : i32 to index
      %get3A_40 = tpu.vector_load %arg7[%get3A_38, %get3A_39] {strides = array<i32>} : memref<16x1024xf32, #tpu.memory_space<vmem>>, vector<1x16xf32>,
      %get3A_41 = vector.shape_cast %get3A_40 : vector<1x16xf32> to vector<16xf32>
      %get3A_42 = arith.constant 6 : i32
      %get3A_43 = arith.index_cast %get3A_42 : i32 to index
      %get3A_44 = arith.index_cast %multiple_of3A : i32 to index
      %get3A_45 = tpu.vector_load %arg7[%get3A_43, %get3A_44] {strides = array<i32>} : memref<16x1024xf32, #tpu.memory_space<vmem>>, vector<1x16xf32>,
      %get3A_46 = vector.shape_cast %get3A_45 : vector<1x16xf32> to vector<16xf32>
      %get3A_47 = arith.constant 7 : i32
      %get3A_48 = arith.index_cast %get3A_47 : i32 to index
      %get3A_49 = arith.index_cast %multiple_of3A : i32 to index
      %get3A_50 = tpu.vector_load %arg7[%get3A_48, %get3A_49] {strides = array<i32>} : memref<16x1024xf32, #tpu.memory_space<vmem>>, vector<1x16xf32>,
      %get3A_51 = vector.shape_cast %get3A_50 : vector<1x16xf32> to vector<16xf32>
      %get3A_52 = arith.constant 8 : i32
      %get3A_53 = arith.index_cast %get3A_52 : i32 to index
      %get3A_54 = arith.index_cast %multiple_of3A : i32 to index
      %get3A_55 = tpu.vector_load %arg7[%get3A_53, %get3A_54] {strides = array<i32>} : memref<16x1024xf32, #tpu.memory_space<vmem>>, vector<1x16xf32>,
      %get3A_56 = vector.shape_cast %get3A_55 : vector<1x16xf32> to vector<16xf32>
      %get3A_57 = arith.constant 9 : i32
      %get3A_58 = arith.index_cast %get3A_57 : i32 to index
      %get3A_59 = arith.index_cast %multiple_of3A : i32 to index
      %get3A_60 = tpu.vector_load %arg7[%get3A_58, %get3A_59] {strides = array<i32>} : memref<16x1024xf32, #tpu.memory_space<vmem>>, vector<1x16xf32>,
      %get3A_61 = vector.shape_cast %get3A_60 : vector<1x16xf32> to vector<16xf32>
      %get3A_62 = arith.constant 10 : i32
      %get3A_63 = arith.index_cast %get3A_62 : i32 to index
      %get3A_64 = arith.index_cast %multiple_of3A : i32 to index
      %get3A_65 = tpu.vector_load %arg7[%get3A_63, %get3A_64] {strides = array<i32>} : memref<16x1024xf32, #tpu.memory_space<vmem>>, vector<1x16xf32>,
      %get3A_66 = vector.shape_cast %get3A_65 : vector<1x16xf32> to vector<16xf32>
      %get3A_67 = arith.constant 11 : i32
      %get3A_68 = arith.index_cast %get3A_67 : i32 to index
      %get3A_69 = arith.index_cast %multiple_of3A : i32 to index
      %get3A_70 = tpu.vector_load %arg7[%get3A_68, %get3A_69] {strides = array<i32>} : memref<16x1024xf32, #tpu.memory_space<vmem>>, vector<1x16xf32>,
      %get3A_71 = vector.shape_cast %get3A_70 : vector<1x16xf32> to vector<16xf32>
      %get3A_72 = arith.constant 12 : i32
      %get3A_73 = arith.index_cast %get3A_72 : i32 to index
      %get3A_74 = arith.index_cast %multiple_of3A : i32 to index
      %get3A_75 = tpu.vector_load %arg7[%get3A_73, %get3A_74] {strides = array<i32>} : memref<16x1024xf32, #tpu.memory_space<vmem>>, vector<1x16xf32>,
      %get3A_76 = vector.shape_cast %get3A_75 : vector<1x16xf32> to vector<16xf32>
      %get3A_77 = arith.constant 13 : i32
      %get3A_78 = arith.index_cast %get3A_77 : i32 to index
      %get3A_79 = arith.index_cast %multiple_of3A : i32 to index
      %get3A_80 = tpu.vector_load %arg7[%get3A_78, %get3A_79] {strides = array<i32>} : memref<16x1024xf32, #tpu.memory_space<vmem>>, vector<1x16xf32>,
      %get3A_81 = vector.shape_cast %get3A_80 : vector<1x16xf32> to vector<16xf32>
      %get3A_82 = arith.index_cast %multiple_of3A : i32 to index
      %get3A_83 = tpu.vector_load %arg8[%get3A_82] {strides = array<i32>} : memref<1024xf32, #tpu.memory_space<vmem>>, vector<16xf32>,
      %get3A_84 = vector.shape_cast %get3A_83 : vector<16xf32> to vector<16xf32>
      %max3A = arith.maximumf %get3A_16, %get3A_21 : vector<16xf32>
      %max3A_85 = arith.maximumf %get3A_26, %get3A_31 : vector<16xf32>
      %max3A_86 = arith.maximumf %max3A, %max3A_85 : vector<16xf32>
      %max3A_87 = arith.maximumf %get3A_36, %get3A_41 : vector<16xf32>
      %max3A_88 = arith.maximumf %max3A_86, %max3A_87 : vector<16xf32>
      %sub3A = arith.subf %get3A_16, %max3A_88 : vector<16xf32>
      %mul3A_89 = arith.constant 1.66666663 : f32
      %mul3A_90 = vector.broadcast %mul3A_89 : f32 to vector<16xf32>
      %mul3A_91 = arith.mulf %sub3A, %mul3A_90 : vector<16xf32>
      %exp3A = math.exp %mul3A_91 : vector<16xf32>
      %sub3A_92 = arith.subf %get3A_21, %max3A_88 : vector<16xf32>
      %mul3A_93 = arith.constant 1.66666663 : f32
      %mul3A_94 = vector.broadcast %mul3A_93 : f32 to vector<16xf32>
      %mul3A_95 = arith.mulf %sub3A_92, %mul3A_94 : vector<16xf32>
      %exp3A_96 = math.exp %mul3A_95 : vector<16xf32>
      %sub3A_97 = arith.subf %get3A_26, %max3A_88 : vector<16xf32>
      %mul3A_98 = arith.constant 1.66666663 : f32
      %mul3A_99 = vector.broadcast %mul3A_98 : f32 to vector<16xf32>
      %mul3A_100 = arith.mulf %sub3A_97, %mul3A_99 : vector<16xf32>
      %exp3A_101 = math.exp %mul3A_100 : vector<16xf32>
      %sub3A_102 = arith.subf %get3A_31, %max3A_88 : vector<16xf32>
      %mul3A_103 = arith.constant 1.66666663 : f32
      %mul3A_104 = vector.broadcast %mul3A_103 : f32 to vector<16xf32>
      %mul3A_105 = arith.mulf %sub3A_102, %mul3A_104 : vector<16xf32>
      %exp3A_106 = math.exp %mul3A_105 : vector<16xf32>
      %sub3A_107 = arith.subf %get3A_36, %max3A_88 : vector<16xf32>
      %mul3A_108 = arith.constant 1.66666663 : f32
      %mul3A_109 = vector.broadcast %mul3A_108 : f32 to vector<16xf32>
      %mul3A_110 = arith.mulf %sub3A_107, %mul3A_109 : vector<16xf32>
      %exp3A_111 = math.exp %mul3A_110 : vector<16xf32>
      %sub3A_112 = arith.subf %get3A_41, %max3A_88 : vector<16xf32>
      %mul3A_113 = arith.constant 1.66666663 : f32
      %mul3A_114 = vector.broadcast %mul3A_113 : f32 to vector<16xf32>
      %mul3A_115 = arith.mulf %sub3A_112, %mul3A_114 : vector<16xf32>
      %exp3A_116 = math.exp %mul3A_115 : vector<16xf32>
      %add3A_117 = arith.addf %exp3A, %exp3A_96 : vector<16xf32>
      %add3A_118 = arith.addf %exp3A_101, %exp3A_106 : vector<16xf32>
      %add3A_119 = arith.addf %add3A_117, %add3A_118 : vector<16xf32>
      %add3A_120 = arith.addf %exp3A_111, %exp3A_116 : vector<16xf32>
      %add3A_121 = arith.addf %add3A_119, %add3A_120 : vector<16xf32>
      %div3A = arith.constant 1.000000e+00 : f32
      %div3A_122 = vector.broadcast %div3A : f32 to vector<16xf32>
      %div3A_123 = arith.divf %div3A_122, %add3A_121 : vector<16xf32>
      %broadcast_in_dim3A = arith.constant 0 : i32
      %broadcast_in_dim3A_124 = vector.broadcast %broadcast_in_dim3A : i32 to vector<16xi32>
      %gt3A = arith.cmpf ogt, %get3A_21, %get3A_16 : vector<16xf32>
      %jit3A = arith.constant 1 : i32
      %broadcast_in_dim3A_125 = vector.broadcast %jit3A : i32 to vector<16xi32>
      %select_n3A = arith.select %gt3A, %broadcast_in_dim3A_125, %broadcast_in_dim3A_124 : vector<16xi1>, vector<16xi32>
      %select_n3A_126 = arith.select %gt3A, %get3A_21, %get3A_16 : vector<16xi1>, vector<16xf32>
      %gt3A_127 = arith.cmpf ogt, %get3A_26, %select_n3A_126 : vector<16xf32>
      %jit3A_128 = arith.constant 2 : i32
      %broadcast_in_dim3A_129 = vector.broadcast %jit3A_128 : i32 to vector<16xi32>
      %select_n3A_130 = arith.select %gt3A_127, %broadcast_in_dim3A_129, %select_n3A : vector<16xi1>, vector<16xi32>
      %select_n3A_131 = arith.select %gt3A_127, %get3A_26, %select_n3A_126 : vector<16xi1>, vector<16xf32>
      %gt3A_132 = arith.cmpf ogt, %get3A_31, %select_n3A_131 : vector<16xf32>
      %jit3A_133 = arith.constant 3 : i32
      %broadcast_in_dim3A_134 = vector.broadcast %jit3A_133 : i32 to vector<16xi32>
      %select_n3A_135 = arith.select %gt3A_132, %broadcast_in_dim3A_134, %select_n3A_130 : vector<16xi1>, vector<16xi32>
      %select_n3A_136 = arith.select %gt3A_132, %get3A_31, %select_n3A_131 : vector<16xi1>, vector<16xf32>
      %gt3A_137 = arith.cmpf ogt, %get3A_36, %select_n3A_136 : vector<16xf32>
      %jit3A_138 = arith.constant 4 : i32
      %broadcast_in_dim3A_139 = vector.broadcast %jit3A_138 : i32 to vector<16xi32>
      %select_n3A_140 = arith.select %gt3A_137, %broadcast_in_dim3A_139, %select_n3A_135 : vector<16xi1>, vector<16xi32>
      %select_n3A_141 = arith.select %gt3A_137, %get3A_36, %select_n3A_136 : vector<16xi1>, vector<16xf32>
      %gt3A_142 = arith.cmpf ogt, %get3A_41, %select_n3A_141 : vector<16xf32>
      %jit3A_143 = arith.constant 5 : i32
      %broadcast_in_dim3A_144 = vector.broadcast %jit3A_143 : i32 to vector<16xi32>
      %select_n3A_145 = arith.select %gt3A_142, %broadcast_in_dim3A_144, %select_n3A_140 : vector<16xi1>, vector<16xi32>
      %select_n3A_146 = arith.select %gt3A_142, %get3A_41, %select_n3A_141 : vector<16xi1>, vector<16xf32>
      %add3A_147 = arith.constant 1.000000e+00 : f32
      %add3A_148 = vector.broadcast %add3A_147 : f32 to vector<16xf32>
      %add3A_149 = arith.addf %add3A_148, %get3A_71 : vector<16xf32>
      %mul3A_150 = arith.mulf %get3A_51, %add3A_149 : vector<16xf32>
      %mul3A_151 = arith.constant 3.000000e-01 : f32
      %mul3A_152 = vector.broadcast %mul3A_151 : f32 to vector<16xf32>
      %mul3A_153 = arith.mulf %get3A_46, %mul3A_152 : vector<16xf32>
      %sub3A_154 = arith.constant 1.500000e-01 : f32
      %sub3A_155 = vector.broadcast %sub3A_154 : f32 to vector<16xf32>
      %sub3A_156 = arith.subf %mul3A_153, %sub3A_155 : vector<16xf32>
      %mul3A_157 = arith.constant 8.000000e-01 : f32
      %mul3A_158 = vector.broadcast %mul3A_157 : f32 to vector<16xf32>
      %mul3A_159 = arith.mulf %get3A_56, %mul3A_158 : vector<16xf32>
      %mul3A_160 = arith.constant 4.000000e-01 : f32
      %mul3A_161 = vector.broadcast %mul3A_160 : f32 to vector<16xf32>
      %mul3A_162 = arith.mulf %get3A_61, %mul3A_161 : vector<16xf32>
      %add3A_163 = arith.addf %mul3A_159, %mul3A_162 : vector<16xf32>
      %mul3A_164 = arith.constant 0.899999976 : f32
      %mul3A_165 = vector.broadcast %mul3A_164 : f32 to vector<16xf32>
      %mul3A_166 = arith.mulf %get3A_66, %mul3A_165 : vector<16xf32>
      %add3A_167 = arith.addf %mul3A_166, %get3A_84 : vector<16xf32>
      %mul3A_168 = arith.constant 2.500000e+00 : f32
      %mul3A_169 = vector.broadcast %mul3A_168 : f32 to vector<16xf32>
      %mul3A_170 = arith.mulf %get3A_71, %mul3A_169 : vector<16xf32>
      %add3A_171 = arith.addf %get3A_81, %mul3A_170 : vector<16xf32>
      %sub3A_172 = arith.constant 5.000000e-01 : f32
      %sub3A_173 = vector.broadcast %sub3A_172 : f32 to vector<16xf32>
      %sub3A_174 = arith.subf %add3A_171, %sub3A_173 : vector<16xf32>
      %mul3A_175 = arith.constant 4.000000e-01 : f32
      %mul3A_176 = vector.broadcast %mul3A_175 : f32 to vector<16xf32>
      %mul3A_177 = arith.mulf %get3A_46, %mul3A_176 : vector<16xf32>
      %mul3A_178 = arith.constant 2.000000e-01 : f32
      %mul3A_179 = vector.broadcast %mul3A_178 : f32 to vector<16xf32>
      %mul3A_180 = arith.mulf %get3A_76, %mul3A_179 : vector<16xf32>
      %add3A_181 = arith.addf %mul3A_177, %mul3A_180 : vector<16xf32>
      %eq3A = arith.constant 0 : i32
      %eq3A_182 = vector.broadcast %eq3A : i32 to vector<16xi32>
      %eq3A_183 = arith.cmpi eq, %select_n3A_145, %eq3A_182 : vector<16xi32>
      %jit3A_184 = arith.constant 0.000000e+00 : f32
      %broadcast_in_dim3A_185 = vector.broadcast %jit3A_184 : f32 to vector<16xf32>
      %select_n3A_186 = arith.select %eq3A_183, %mul3A_150, %broadcast_in_dim3A_185 : vector<16xi1>, vector<16xf32>
      %eq3A_187 = arith.constant 1 : i32
      %eq3A_188 = vector.broadcast %eq3A_187 : i32 to vector<16xi32>
      %eq3A_189 = arith.cmpi eq, %select_n3A_145, %eq3A_188 : vector<16xi32>
      %select_n3A_190 = arith.select %eq3A_189, %sub3A_156, %select_n3A_186 : vector<16xi1>, vector<16xf32>
      %eq3A_191 = arith.constant 2 : i32
      %eq3A_192 = vector.broadcast %eq3A_191 : i32 to vector<16xi32>
      %eq3A_193 = arith.cmpi eq, %select_n3A_145, %eq3A_192 : vector<16xi32>
      %select_n3A_194 = arith.select %eq3A_193, %add3A_163, %select_n3A_190 : vector<16xi1>, vector<16xf32>
      %eq3A_195 = arith.constant 3 : i32
      %eq3A_196 = vector.broadcast %eq3A_195 : i32 to vector<16xi32>
      %eq3A_197 = arith.cmpi eq, %select_n3A_145, %eq3A_196 : vector<16xi32>
      %select_n3A_198 = arith.select %eq3A_197, %add3A_167, %select_n3A_194 : vector<16xi1>, vector<16xf32>
      %eq3A_199 = arith.constant 4 : i32
      %eq3A_200 = vector.broadcast %eq3A_199 : i32 to vector<16xi32>
      %eq3A_201 = arith.cmpi eq, %select_n3A_145, %eq3A_200 : vector<16xi32>
      %select_n3A_202 = arith.select %eq3A_201, %sub3A_174, %select_n3A_198 : vector<16xi1>, vector<16xf32>
      %eq3A_203 = arith.constant 5 : i32
      %eq3A_204 = vector.broadcast %eq3A_203 : i32 to vector<16xi32>
      %eq3A_205 = arith.cmpi eq, %select_n3A_145, %eq3A_204 : vector<16xi32>
      %select_n3A_206 = arith.select %eq3A_205, %add3A_181, %select_n3A_202 : vector<16xi1>, vector<16xf32>
      %swap3A = arith.index_cast %multiple_of3A : i32 to index
      %swap3A_207 = tpu.vector_load %arg9[%swap3A] {strides = array<i32>} : memref<1024xf32, #tpu.memory_space<vmem>>, vector<16xf32>,
      %swap3A_208 = vector.shape_cast %swap3A_207 : vector<16xf32> to vector<16xf32>
      %swap3A_209 = vector.shape_cast %select_n3A_206 : vector<16xf32> to vector<16xf32>
      tpu.vector_store %arg9[%swap3A], %swap3A_209 {strides = array<i32>} : memref<1024xf32, #tpu.memory_space<vmem>>, vector<16xf32>,
      %swap3A_210 = arith.index_cast %multiple_of3A : i32 to index
      %swap3A_211 = tpu.vector_load %arg10[%swap3A_210] {strides = array<i32>} : memref<1024xi32, #tpu.memory_space<vmem>>, vector<16xi32>,
      %swap3A_212 = vector.shape_cast %swap3A_211 : vector<16xi32> to vector<16xi32>
      %swap3A_213 = vector.shape_cast %select_n3A_145 : vector<16xi32> to vector<16xi32>
      tpu.vector_store %arg10[%swap3A_210], %swap3A_213 {strides = array<i32>} : memref<1024xi32, #tpu.memory_space<vmem>>, vector<16xi32>,
      %mul3A_214 = arith.mulf %exp3A, %div3A_123 : vector<16xf32>
      %swap3A_215 = arith.constant 0 : i32
      %swap3A_216 = arith.index_cast %swap3A_215 : i32 to index
      %swap3A_217 = arith.index_cast %multiple_of3A : i32 to index
      %swap3A_218 = tpu.vector_load %arg11[%swap3A_216, %swap3A_217] {strides = array<i32>} : memref<6x1024xf32, #tpu.memory_space<vmem>>, vector<1x16xf32>,
      %swap3A_219 = vector.shape_cast %swap3A_218 : vector<1x16xf32> to vector<16xf32>
      %swap3A_220 = vector.shape_cast %mul3A_214 : vector<16xf32> to vector<1x16xf32>
      tpu.vector_store %arg11[%swap3A_216, %swap3A_217], %swap3A_220 {strides = array<i32>} : memref<6x1024xf32, #tpu.memory_space<vmem>>, vector<1x16xf32>,
      %mul3A_221 = arith.mulf %exp3A_96, %div3A_123 : vector<16xf32>
      %swap3A_222 = arith.constant 1 : i32
      %swap3A_223 = arith.index_cast %swap3A_222 : i32 to index
      %swap3A_224 = arith.index_cast %multiple_of3A : i32 to index
      %swap3A_225 = tpu.vector_load %arg11[%swap3A_223, %swap3A_224] {strides = array<i32>} : memref<6x1024xf32, #tpu.memory_space<vmem>>, vector<1x16xf32>,
      %swap3A_226 = vector.shape_cast %swap3A_225 : vector<1x16xf32> to vector<16xf32>
      %swap3A_227 = vector.shape_cast %mul3A_221 : vector<16xf32> to vector<1x16xf32>
      tpu.vector_store %arg11[%swap3A_223, %swap3A_224], %swap3A_227 {strides = array<i32>} : memref<6x1024xf32, #tpu.memory_space<vmem>>, vector<1x16xf32>,
      %mul3A_228 = arith.mulf %exp3A_101, %div3A_123 : vector<16xf32>
      %swap3A_229 = arith.constant 2 : i32
      %swap3A_230 = arith.index_cast %swap3A_229 : i32 to index
      %swap3A_231 = arith.index_cast %multiple_of3A : i32 to index
      %swap3A_232 = tpu.vector_load %arg11[%swap3A_230, %swap3A_231] {strides = array<i32>} : memref<6x1024xf32, #tpu.memory_space<vmem>>, vector<1x16xf32>,
      %swap3A_233 = vector.shape_cast %swap3A_232 : vector<1x16xf32> to vector<16xf32>
      %swap3A_234 = vector.shape_cast %mul3A_228 : vector<16xf32> to vector<1x16xf32>
      tpu.vector_store %arg11[%swap3A_230, %swap3A_231], %swap3A_234 {strides = array<i32>} : memref<6x1024xf32, #tpu.memory_space<vmem>>, vector<1x16xf32>,
      %mul3A_235 = arith.mulf %exp3A_106, %div3A_123 : vector<16xf32>
      %swap3A_236 = arith.constant 3 : i32
      %swap3A_237 = arith.index_cast %swap3A_236 : i32 to index
      %swap3A_238 = arith.index_cast %multiple_of3A : i32 to index
      %swap3A_239 = tpu.vector_load %arg11[%swap3A_237, %swap3A_238] {strides = array<i32>} : memref<6x1024xf32, #tpu.memory_space<vmem>>, vector<1x16xf32>,
      %swap3A_240 = vector.shape_cast %swap3A_239 : vector<1x16xf32> to vector<16xf32>
      %swap3A_241 = vector.shape_cast %mul3A_235 : vector<16xf32> to vector<1x16xf32>
      tpu.vector_store %arg11[%swap3A_237, %swap3A_238], %swap3A_241 {strides = array<i32>} : memref<6x1024xf32, #tpu.memory_space<vmem>>, vector<1x16xf32>,
      %mul3A_242 = arith.mulf %exp3A_111, %div3A_123 : vector<16xf32>
      %swap3A_243 = arith.constant 4 : i32
      %swap3A_244 = arith.index_cast %swap3A_243 : i32 to index
      %swap3A_245 = arith.index_cast %multiple_of3A : i32 to index
      %swap3A_246 = tpu.vector_load %arg11[%swap3A_244, %swap3A_245] {strides = array<i32>} : memref<6x1024xf32, #tpu.memory_space<vmem>>, vector<1x16xf32>,
      %swap3A_247 = vector.shape_cast %swap3A_246 : vector<1x16xf32> to vector<16xf32>
      %swap3A_248 = vector.shape_cast %mul3A_242 : vector<16xf32> to vector<1x16xf32>
      tpu.vector_store %arg11[%swap3A_244, %swap3A_245], %swap3A_248 {strides = array<i32>} : memref<6x1024xf32, #tpu.memory_space<vmem>>, vector<1x16xf32>,
      %mul3A_249 = arith.mulf %exp3A_116, %div3A_123 : vector<16xf32>
      %swap3A_250 = arith.constant 5 : i32
      %swap3A_251 = arith.index_cast %swap3A_250 : i32 to index
      %swap3A_252 = arith.index_cast %multiple_of3A : i32 to index
      %swap3A_253 = tpu.vector_load %arg11[%swap3A_251, %swap3A_252] {strides = array<i32>} : memref<6x1024xf32, #tpu.memory_space<vmem>>, vector<1x16xf32>,
      %swap3A_254 = vector.shape_cast %swap3A_253 : vector<1x16xf32> to vector<16xf32>
      %swap3A_255 = vector.shape_cast %mul3A_249 : vector<16xf32> to vector<1x16xf32>
      tpu.vector_store %arg11[%swap3A_251, %swap3A_252], %swap3A_255 {strides = array<i32>} : memref<6x1024xf32, #tpu.memory_space<vmem>>, vector<1x16xf32>,
    }
    %scan3A_7 = arith.constant 64 : i32
    %run_scoped3A_8 = arith.constant 0 : i32
    "tpu.region"() ({
      %run_scoped3A_10 = tpu.sem_alloc : memref<!tpu.dma_semaphore, #tpu.memory_space<semaphore_mem>>
      %dma_start3A = tpu.memref_slice %arg4[%run_scoped3A_8, %mul3A_2] : memref<1x32768xf32, #tpu.memory_space<hbm>> -> memref<1x1024xf32, #tpu.memory_space<hbm>>
      %dma_start3A_11 = tpu.memref_squeeze %dma_start3A : memref<1x1024xf32, #tpu.memory_space<hbm>> -> memref<1024xf32, #tpu.memory_space<hbm>>
      %dma_start3A_12 = tpu.memref_slice %arg4[%run_scoped3A_8, %mul3A_2] : memref<1x32768xf32, #tpu.memory_space<hbm>> -> memref<1x1024xf32, #tpu.memory_space<hbm>>
      %dma_start3A_13 = tpu.memref_squeeze %dma_start3A_12 : memref<1x1024xf32, #tpu.memory_space<hbm>> -> memref<1024xf32, #tpu.memory_space<hbm>>
      tpu.enqueue_dma source(%arg9 : memref<1024xf32, #tpu.memory_space<vmem>>) target(%dma_start3A_13 : memref<1024xf32, #tpu.memory_space<hbm>>) target_semaphore(%run_scoped3A_10 : memref<!tpu.dma_semaphore, #tpu.memory_space<semaphore_mem>>)
      %dma_wait3A = tpu.memref_slice %arg4[%run_scoped3A_8, %mul3A_2] : memref<1x32768xf32, #tpu.memory_space<hbm>> -> memref<1x1024xf32, #tpu.memory_space<hbm>>
      %dma_wait3A_14 = tpu.memref_squeeze %dma_wait3A : memref<1x1024xf32, #tpu.memory_space<hbm>> -> memref<1024xf32, #tpu.memory_space<hbm>>
      %dma_wait3A_15 = tpu.memref_slice %arg4[%run_scoped3A_8, %mul3A_2] : memref<1x32768xf32, #tpu.memory_space<hbm>> -> memref<1x1024xf32, #tpu.memory_space<hbm>>
      %dma_wait3A_16 = tpu.memref_squeeze %dma_wait3A_15 : memref<1x1024xf32, #tpu.memory_space<hbm>> -> memref<1024xf32, #tpu.memory_space<hbm>>
      tpu.wait_dma2 semaphore(%run_scoped3A_10 : memref<!tpu.dma_semaphore, #tpu.memory_space<semaphore_mem>>) src(%arg9 : memref<1024xf32, #tpu.memory_space<vmem>>) dst(%dma_wait3A_16 : memref<1024xf32, #tpu.memory_space<hbm>>)
      tpu.yield
    }) : () -> ()
    %run_scoped3A_9 = arith.constant 0 : i32
    "tpu.region"() ({
      %run_scoped3A_10 = tpu.sem_alloc : memref<!tpu.dma_semaphore, #tpu.memory_space<semaphore_mem>>
      %dma_start3A = tpu.memref_slice %arg5[%run_scoped3A_9, %mul3A_2] : memref<1x32768xi32, #tpu.memory_space<hbm>> -> memref<1x1024xi32, #tpu.memory_space<hbm>>
      %dma_start3A_11 = tpu.memref_squeeze %dma_start3A : memref<1x1024xi32, #tpu.memory_space<hbm>> -> memref<1024xi32, #tpu.memory_space<hbm>>
      %dma_start3A_12 = tpu.memref_slice %arg5[%run_scoped3A_9, %mul3A_2] : memref<1x32768xi32, #tpu.memory_space<hbm>> -> memref<1x1024xi32, #tpu.memory_space<hbm>>
      %dma_start3A_13 = tpu.memref_squeeze %dma_start3A_12 : memref<1x1024xi32, #tpu.memory_space<hbm>> -> memref<1024xi32, #tpu.memory_space<hbm>>
      tpu.enqueue_dma source(%arg10 : memref<1024xi32, #tpu.memory_space<vmem>>) target(%dma_start3A_13 : memref<1024xi32, #tpu.memory_space<hbm>>) target_semaphore(%run_scoped3A_10 : memref<!tpu.dma_semaphore, #tpu.memory_space<semaphore_mem>>)
      %dma_wait3A = tpu.memref_slice %arg5[%run_scoped3A_9, %mul3A_2] : memref<1x32768xi32, #tpu.memory_space<hbm>> -> memref<1x1024xi32, #tpu.memory_space<hbm>>
      %dma_wait3A_14 = tpu.memref_squeeze %dma_wait3A : memref<1x1024xi32, #tpu.memory_space<hbm>> -> memref<1024xi32, #tpu.memory_space<hbm>>
      %dma_wait3A_15 = tpu.memref_slice %arg5[%run_scoped3A_9, %mul3A_2] : memref<1x32768xi32, #tpu.memory_space<hbm>> -> memref<1x1024xi32, #tpu.memory_space<hbm>>
      %dma_wait3A_16 = tpu.memref_squeeze %dma_wait3A_15 : memref<1x1024xi32, #tpu.memory_space<hbm>> -> memref<1024xi32, #tpu.memory_space<hbm>>
      tpu.wait_dma2 semaphore(%run_scoped3A_10 : memref<!tpu.dma_semaphore, #tpu.memory_space<semaphore_mem>>) src(%arg10 : memref<1024xi32, #tpu.memory_space<vmem>>) dst(%dma_wait3A_16 : memref<1024xi32, #tpu.memory_space<hbm>>)
      tpu.yield
    }) : () -> ()
    "tpu.region"() ({
      %run_scoped3A_10 = tpu.sem_alloc : memref<!tpu.dma_semaphore, #tpu.memory_space<semaphore_mem>>
      %dma_start3A = arith.constant 0 : i32
      %dma_start3A_11 = tpu.memref_slice %arg6[%dma_start3A, %mul3A_2] : memref<6x32768xf32, #tpu.memory_space<hbm>> -> memref<6x1024xf32, #tpu.memory_space<hbm>>
      %dma_start3A_12 = arith.constant 0 : i32
      %dma_start3A_13 = tpu.memref_slice %arg6[%dma_start3A_12, %mul3A_2] : memref<6x32768xf32, #tpu.memory_space<hbm>> -> memref<6x1024xf32, #tpu.memory_space<hbm>>
      tpu.enqueue_dma source(%arg11 : memref<6x1024xf32, #tpu.memory_space<vmem>>) target(%dma_start3A_13 : memref<6x1024xf32, #tpu.memory_space<hbm>>) target_semaphore(%run_scoped3A_10 : memref<!tpu.dma_semaphore, #tpu.memory_space<semaphore_mem>>)
      %dma_wait3A = arith.constant 0 : i32
      %dma_wait3A_14 = tpu.memref_slice %arg6[%dma_wait3A, %mul3A_2] : memref<6x32768xf32, #tpu.memory_space<hbm>> -> memref<6x1024xf32, #tpu.memory_space<hbm>>
      %dma_wait3A_15 = arith.constant 0 : i32
      %dma_wait3A_16 = tpu.memref_slice %arg6[%dma_wait3A_15, %mul3A_2] : memref<6x32768xf32, #tpu.memory_space<hbm>> -> memref<6x1024xf32, #tpu.memory_space<hbm>>
      tpu.wait_dma2 semaphore(%run_scoped3A_10 : memref<!tpu.dma_semaphore, #tpu.memory_space<semaphore_mem>>) src(%arg11 : memref<6x1024xf32, #tpu.memory_space<vmem>>) dst(%dma_wait3A_16 : memref<6x1024xf32, #tpu.memory_space<hbm>>)
      tpu.yield
    }) : () -> ()
    return
  }
}

module attributes {stable_mosaic.version = 14 : i64} {
  func.func @_stats_kernel(%arg0: i32, %arg1: i32, %arg2: memref<1x64x4096xf32, #tpu.memory_space<vmem>>, %arg3: memref<12x64xf32, #tpu.memory_space<vmem>>, %arg4: memref<6x1xf32, #tpu.memory_space<vmem>>, %arg5: memref<1x1x4096xf32, #tpu.memory_space<vmem>>, %arg6: memref<6x1x1x4096xf32, #tpu.memory_space<vmem>>, %arg7: memref<16x1x1x4096xf32, #tpu.memory_space<vmem>>) attributes {dimension_semantics = [#tpu.dimension_semantics<arbitrary>, #tpu.dimension_semantics<arbitrary>], iteration_bounds = array<i64: 4, 2>, scalar_prefetch = 0 : i64, scratch_operands = 0 : i64, tpu.core_type = #tpu.core_type<tc>, window_params = [{transform_indices = @transform_0, window_bounds = array<i64: 1, 64, 4096>}, {pipeline_mode = #tpu.pipeline_mode<synchronous>, transform_indices = @transform_1, window_bounds = array<i64: 12, 64>}, {pipeline_mode = #tpu.pipeline_mode<synchronous>, transform_indices = @transform_2, window_bounds = array<i64: 6, 1>}, {transform_indices = @transform_3, window_bounds = array<i64: 1, 1, 4096>}, {transform_indices = @transform_4, window_bounds = array<i64: 6, 1, 1, 4096>}, {transform_indices = @transform_5, window_bounds = array<i64: 16, 1, 1, 4096>}]} {
    %get3A = arith.constant 0 : index
    %get3A_0 = arith.constant 0 : index
    %get3A_1 = arith.constant 0 : index
    %get3A_2 = vector.load %arg2[%get3A, %get3A_0, %get3A_1] : memref<1x64x4096xf32, #tpu.memory_space<vmem>>, vector<1x64x4096xf32>
    %get3A_3 = vector.shape_cast %get3A_2 : vector<1x64x4096xf32> to vector<64x4096xf32>
    %get3A_4 = arith.constant 0 : index
    %get3A_5 = arith.constant 0 : index
    %get3A_6 = vector.load %arg3[%get3A_4, %get3A_5] : memref<12x64xf32, #tpu.memory_space<vmem>>, vector<12x64xf32>
    %dot_general3A = arith.constant dense<0.000000e+00> : vector<12x4096xf32>
    %dot_general3A_7 = tpu.matmul %get3A_6, %get3A_3, %dot_general3A {dimension_numbers = #tpu.dot_dimension_numbers<[1], [0], [0], [1], [0, 0, 1, 1], [], []>, transpose_lhs_hint = false} : vector<12x64xf32>, vector<64x4096xf32>, vector<12x4096xf32> -> vector<12x4096xf32>
    %slice3A = vector.extract_strided_slice %dot_general3A_7 {offsets = [0, 0], sizes = [6, 4096], strides = [1, 1]} : vector<12x4096xf32> to vector<6x4096xf32>
    %get3A_8 = arith.constant 0 : index
    %get3A_9 = arith.constant 0 : index
    %get3A_10 = vector.load %arg4[%get3A_8, %get3A_9] : memref<6x1xf32, #tpu.memory_space<vmem>>, vector<6x1xf32>
    %add3A = vector.broadcast %get3A_10 : vector<6x1xf32> to vector<6x4096xf32>
    %add3A_11 = arith.addf %slice3A, %add3A : vector<6x4096xf32>
    %get3A_12 = arith.constant 0 : index
    %get3A_13 = arith.constant 0 : index
    %get3A_14 = arith.constant 0 : index
    %get3A_15 = vector.load %arg5[%get3A_12, %get3A_13, %get3A_14] : memref<1x1x4096xf32, #tpu.memory_space<vmem>>, vector<1x1x4096xf32>
    %get3A_16 = vector.shape_cast %get3A_15 : vector<1x1x4096xf32> to vector<1x4096xf32>
    %iota3A = tpu.iota {dimensions = array<i32: 0>} : vector<6x1xi32>
    %broadcast_in_dim3A = arith.constant 1.500000e-01 : f32
    %broadcast_in_dim3A_17 = vector.broadcast %broadcast_in_dim3A : f32 to vector<6x1xf32>
    %eq3A = arith.constant 1 : i32
    %eq3A_18 = vector.broadcast %eq3A : i32 to vector<6x1xi32>
    %eq3A_19 = arith.cmpi eq, %iota3A, %eq3A_18 : vector<6x1xi32>
    %jit3A = arith.constant -3.000000e-01 : f32
    %broadcast_in_dim3A_20 = vector.broadcast %jit3A : f32 to vector<6x1xf32>
    %select_n3A = arith.select %eq3A_19, %broadcast_in_dim3A_20, %broadcast_in_dim3A_17 : vector<6x1xi1>, vector<6x1xf32>
    %eq3A_21 = arith.constant 2 : i32
    %eq3A_22 = vector.broadcast %eq3A_21 : i32 to vector<6x1xi32>
    %eq3A_23 = arith.cmpi eq, %iota3A, %eq3A_22 : vector<6x1xi32>
    %jit3A_24 = arith.constant 2.400000e-01 : f32
    %broadcast_in_dim3A_25 = vector.broadcast %jit3A_24 : f32 to vector<6x1xf32>
    %select_n3A_26 = arith.select %eq3A_23, %broadcast_in_dim3A_25, %select_n3A : vector<6x1xi1>, vector<6x1xf32>
    %eq3A_27 = arith.constant 3 : i32
    %eq3A_28 = vector.broadcast %eq3A_27 : i32 to vector<6x1xi32>
    %eq3A_29 = arith.cmpi eq, %iota3A, %eq3A_28 : vector<6x1xi32>
    %jit3A_30 = arith.constant 1.800000e-01 : f32
    %broadcast_in_dim3A_31 = vector.broadcast %jit3A_30 : f32 to vector<6x1xf32>
    %select_n3A_32 = arith.select %eq3A_29, %broadcast_in_dim3A_31, %select_n3A_26 : vector<6x1xi1>, vector<6x1xf32>
    %eq3A_33 = arith.constant 4 : i32
    %eq3A_34 = vector.broadcast %eq3A_33 : i32 to vector<6x1xi32>
    %eq3A_35 = arith.cmpi eq, %iota3A, %eq3A_34 : vector<6x1xi32>
    %jit3A_36 = arith.constant 4.500000e-01 : f32
    %broadcast_in_dim3A_37 = vector.broadcast %jit3A_36 : f32 to vector<6x1xf32>
    %select_n3A_38 = arith.select %eq3A_35, %broadcast_in_dim3A_37, %select_n3A_32 : vector<6x1xi1>, vector<6x1xf32>
    %eq3A_39 = arith.constant 5 : i32
    %eq3A_40 = vector.broadcast %eq3A_39 : i32 to vector<6x1xi32>
    %eq3A_41 = arith.cmpi eq, %iota3A, %eq3A_40 : vector<6x1xi32>
    %jit3A_42 = arith.constant 1.200000e-01 : f32
    %broadcast_in_dim3A_43 = vector.broadcast %jit3A_42 : f32 to vector<6x1xf32>
    %select_n3A_44 = arith.select %eq3A_41, %broadcast_in_dim3A_43, %select_n3A_38 : vector<6x1xi1>, vector<6x1xf32>
    %mul3A = vector.broadcast %get3A_16 : vector<1x4096xf32> to vector<6x4096xf32>
    %mul3A_45 = vector.broadcast %select_n3A_44 : vector<6x1xf32> to vector<6x4096xf32>
    %mul3A_46 = arith.mulf %mul3A, %mul3A_45 : vector<6x4096xf32>
    %add3A_47 = arith.addf %add3A_11, %mul3A_46 : vector<6x4096xf32>
    %get3A_48 = arith.constant 0 : index
    %get3A_49 = arith.constant 0 : index
    %get3A_50 = arith.constant 0 : index
    %get3A_51 = arith.constant 0 : index
    %get3A_52 = vector.load %arg6[%get3A_48, %get3A_49, %get3A_50, %get3A_51] : memref<6x1x1x4096xf32, #tpu.memory_space<vmem>>, vector<6x1x1x4096xf32>
    %get3A_53 = vector.shape_cast %get3A_52 : vector<6x1x1x4096xf32> to vector<6x4096xf32>
    %iota3A_54 = tpu.iota {dimensions = array<i32: 0>} : vector<6x1xi32>
    %broadcast_in_dim3A_55 = arith.constant 1.500000e-01 : f32
    %broadcast_in_dim3A_56 = vector.broadcast %broadcast_in_dim3A_55 : f32 to vector<6x1xf32>
    %eq3A_57 = arith.constant 1 : i32
    %eq3A_58 = vector.broadcast %eq3A_57 : i32 to vector<6x1xi32>
    %eq3A_59 = arith.cmpi eq, %iota3A_54, %eq3A_58 : vector<6x1xi32>
    %jit3A_60 = arith.constant -2.400000e-01 : f32
    %broadcast_in_dim3A_61 = vector.broadcast %jit3A_60 : f32 to vector<6x1xf32>
    %select_n3A_62 = arith.select %eq3A_59, %broadcast_in_dim3A_61, %broadcast_in_dim3A_56 : vector<6x1xi1>, vector<6x1xf32>
    %eq3A_63 = arith.constant 2 : i32
    %eq3A_64 = vector.broadcast %eq3A_63 : i32 to vector<6x1xi32>
    %eq3A_65 = arith.cmpi eq, %iota3A_54, %eq3A_64 : vector<6x1xi32>
    %jit3A_66 = arith.constant 1.800000e-01 : f32
    %broadcast_in_dim3A_67 = vector.broadcast %jit3A_66 : f32 to vector<6x1xf32>
    %select_n3A_68 = arith.select %eq3A_65, %broadcast_in_dim3A_67, %select_n3A_62 : vector<6x1xi1>, vector<6x1xf32>
    %eq3A_69 = arith.constant 3 : i32
    %eq3A_70 = vector.broadcast %eq3A_69 : i32 to vector<6x1xi32>
    %eq3A_71 = arith.cmpi eq, %iota3A_54, %eq3A_70 : vector<6x1xi32>
    %jit3A_72 = arith.constant 3.000000e-01 : f32
    %broadcast_in_dim3A_73 = vector.broadcast %jit3A_72 : f32 to vector<6x1xf32>
    %select_n3A_74 = arith.select %eq3A_71, %broadcast_in_dim3A_73, %select_n3A_68 : vector<6x1xi1>, vector<6x1xf32>
    %eq3A_75 = arith.constant 4 : i32
    %eq3A_76 = vector.broadcast %eq3A_75 : i32 to vector<6x1xi32>
    %eq3A_77 = arith.cmpi eq, %iota3A_54, %eq3A_76 : vector<6x1xi32>
    %jit3A_78 = arith.constant 3.600000e-01 : f32
    %broadcast_in_dim3A_79 = vector.broadcast %jit3A_78 : f32 to vector<6x1xf32>
    %select_n3A_80 = arith.select %eq3A_77, %broadcast_in_dim3A_79, %select_n3A_74 : vector<6x1xi1>, vector<6x1xf32>
    %eq3A_81 = arith.constant 5 : i32
    %eq3A_82 = vector.broadcast %eq3A_81 : i32 to vector<6x1xi32>
    %eq3A_83 = arith.cmpi eq, %iota3A_54, %eq3A_82 : vector<6x1xi32>
    %jit3A_84 = arith.constant 1.500000e-01 : f32
    %broadcast_in_dim3A_85 = vector.broadcast %jit3A_84 : f32 to vector<6x1xf32>
    %select_n3A_86 = arith.select %eq3A_83, %broadcast_in_dim3A_85, %select_n3A_80 : vector<6x1xi1>, vector<6x1xf32>
    %mul3A_87 = vector.broadcast %select_n3A_86 : vector<6x1xf32> to vector<6x4096xf32>
    %mul3A_88 = arith.mulf %get3A_53, %mul3A_87 : vector<6x4096xf32>
    %add3A_89 = arith.addf %add3A_47, %mul3A_88 : vector<6x4096xf32>
    %slice3A_90 = vector.extract_strided_slice %dot_general3A_7 {offsets = [6, 0], sizes = [1, 4096], strides = [1, 1]} : vector<12x4096xf32> to vector<1x4096xf32>
    %slice3A_91 = vector.extract_strided_slice %dot_general3A_7 {offsets = [7, 0], sizes = [1, 4096], strides = [1, 1]} : vector<12x4096xf32> to vector<1x4096xf32>
    %slice3A_92 = vector.extract_strided_slice %dot_general3A_7 {offsets = [8, 0], sizes = [1, 4096], strides = [1, 1]} : vector<12x4096xf32> to vector<1x4096xf32>
    %slice3A_93 = vector.extract_strided_slice %dot_general3A_7 {offsets = [9, 0], sizes = [1, 4096], strides = [1, 1]} : vector<12x4096xf32> to vector<1x4096xf32>
    %slice3A_94 = vector.extract_strided_slice %dot_general3A_7 {offsets = [10, 0], sizes = [1, 4096], strides = [1, 1]} : vector<12x4096xf32> to vector<1x4096xf32>
    %mul3A_95 = arith.mulf %get3A_3, %get3A_3 : vector<64x4096xf32>
    %reduce_sum3A = arith.constant dense<0.000000e+00> : vector<4096xf32>
    %reduce_sum3A_96 = vector.multi_reduction <add>, %mul3A_95, %reduce_sum3A [0] : vector<64x4096xf32> to vector<4096xf32>
    %broadcast_in_dim3A_97 = vector.shape_cast %reduce_sum3A_96 : vector<4096xf32> to vector<1x4096xf32>
    %mul3A_98 = arith.constant 1.562500e-02 : f32
    %mul3A_99 = vector.broadcast %mul3A_98 : f32 to vector<1x4096xf32>
    %mul3A_100 = arith.mulf %broadcast_in_dim3A_97, %mul3A_99 : vector<1x4096xf32>
    %mul3A_101 = arith.mulf %slice3A_90, %slice3A_90 : vector<1x4096xf32>
    %sub3A = arith.subf %mul3A_100, %mul3A_101 : vector<1x4096xf32>
    %mul3A_102 = arith.constant 1.01587307 : f32
    %mul3A_103 = vector.broadcast %mul3A_102 : f32 to vector<1x4096xf32>
    %mul3A_104 = arith.mulf %sub3A, %mul3A_103 : vector<1x4096xf32>
    %max3A = arith.constant 0.000000e+00 : f32
    %max3A_105 = vector.broadcast %max3A : f32 to vector<1x4096xf32>
    %max3A_106 = arith.maximumf %mul3A_104, %max3A_105 : vector<1x4096xf32>
    %sqrt3A = math.sqrt %max3A_106 : vector<1x4096xf32>
    %concatenate3A = tpu.concatenate %slice3A_91, %slice3A_93, %sqrt3A in 0 : vector<1x4096xf32>, vector<1x4096xf32>, vector<1x4096xf32> -> vector<3x4096xf32>
    %tanh3A = math.tanh %concatenate3A : vector<3x4096xf32>
    %logistic3A = arith.negf %slice3A_90 : vector<1x4096xf32>
    %logistic3A_107 = math.exp %logistic3A : vector<1x4096xf32>
    %logistic3A_108 = arith.constant 1.000000e+00 : f32
    %logistic3A_109 = vector.broadcast %logistic3A_108 : f32 to vector<1x4096xf32>
    %logistic3A_110 = arith.addf %logistic3A_109, %logistic3A_107 : vector<1x4096xf32>
    %logistic3A_111 = arith.divf %logistic3A_109, %logistic3A_110 : vector<1x4096xf32>
    %mul3A_112 = arith.constant 3.141590e+00 : f32
    %mul3A_113 = vector.broadcast %mul3A_112 : f32 to vector<1x4096xf32>
    %mul3A_114 = arith.mulf %slice3A_94, %mul3A_113 : vector<1x4096xf32>
    %mul3A_115 = arith.constant 0.318309873 : f32
    %mul3A_116 = vector.broadcast %mul3A_115 : f32 to vector<1x4096xf32>
    %mul3A_117 = arith.mulf %mul3A_114, %mul3A_116 : vector<1x4096xf32>
    %add3A_118 = arith.constant 5.000000e-01 : f32
    %add3A_119 = vector.broadcast %add3A_118 : f32 to vector<1x4096xf32>
    %add3A_120 = arith.addf %mul3A_117, %add3A_119 : vector<1x4096xf32>
    %floor3A = math.floor %add3A_120 : vector<1x4096xf32>
    %mul3A_121 = arith.constant 3.140625 : f32
    %mul3A_122 = vector.broadcast %mul3A_121 : f32 to vector<1x4096xf32>
    %mul3A_123 = arith.mulf %floor3A, %mul3A_122 : vector<1x4096xf32>
    %sub3A_124 = arith.subf %mul3A_114, %mul3A_123 : vector<1x4096xf32>
    %mul3A_125 = arith.constant 9.67653584E-4 : f32
    %mul3A_126 = vector.broadcast %mul3A_125 : f32 to vector<1x4096xf32>
    %mul3A_127 = arith.mulf %floor3A, %mul3A_126 : vector<1x4096xf32>
    %sub3A_128 = arith.subf %sub3A_124, %mul3A_127 : vector<1x4096xf32>
    %convert_element_type3A = arith.fptosi %floor3A : vector<1x4096xf32> to vector<1x4096xi32>
    %and3A = arith.constant 1 : i32
    %and3A_129 = vector.broadcast %and3A : i32 to vector<1x4096xi32>
    %and3A_130 = arith.andi %convert_element_type3A, %and3A_129 : vector<1x4096xi32>
    %eq3A_131 = arith.constant 0 : i32
    %eq3A_132 = vector.broadcast %eq3A_131 : i32 to vector<1x4096xi32>
    %eq3A_133 = arith.cmpi eq, %and3A_130, %eq3A_132 : vector<1x4096xi32>
    %jit3A_134 = arith.constant 1.000000e+00 : f32
    %jit3A_135 = arith.constant -1.000000e+00 : f32
    %broadcast_in_dim3A_136 = vector.broadcast %jit3A_134 : f32 to vector<1x4096xf32>
    %broadcast_in_dim3A_137 = vector.broadcast %jit3A_135 : f32 to vector<1x4096xf32>
    %select_n3A_138 = arith.select %eq3A_133, %broadcast_in_dim3A_136, %broadcast_in_dim3A_137 : vector<1x4096xi1>, vector<1x4096xf32>
    %mul3A_139 = arith.mulf %sub3A_128, %sub3A_128 : vector<1x4096xf32>
    %mul3A_140 = arith.mulf %sub3A_128, %mul3A_139 : vector<1x4096xf32>
    %mul3A_141 = arith.constant 2.752600e-06 : f32
    %mul3A_142 = vector.broadcast %mul3A_141 : f32 to vector<1x4096xf32>
    %mul3A_143 = arith.mulf %mul3A_139, %mul3A_142 : vector<1x4096xf32>
    %add3A_144 = arith.constant -1.984080e-04 : f32
    %add3A_145 = vector.broadcast %add3A_144 : f32 to vector<1x4096xf32>
    %add3A_146 = arith.addf %add3A_145, %mul3A_143 : vector<1x4096xf32>
    %mul3A_147 = arith.mulf %mul3A_139, %add3A_146 : vector<1x4096xf32>
    %add3A_148 = arith.constant 0.00833333097 : f32
    %add3A_149 = vector.broadcast %add3A_148 : f32 to vector<1x4096xf32>
    %add3A_150 = arith.addf %add3A_149, %mul3A_147 : vector<1x4096xf32>
    %mul3A_151 = arith.mulf %mul3A_139, %add3A_150 : vector<1x4096xf32>
    %add3A_152 = arith.constant -0.166666672 : f32
    %add3A_153 = vector.broadcast %add3A_152 : f32 to vector<1x4096xf32>
    %add3A_154 = arith.addf %add3A_153, %mul3A_151 : vector<1x4096xf32>
    %mul3A_155 = arith.mulf %mul3A_140, %add3A_154 : vector<1x4096xf32>
    %add3A_156 = arith.addf %sub3A_128, %mul3A_155 : vector<1x4096xf32>
    %mul3A_157 = arith.mulf %select_n3A_138, %add3A_156 : vector<1x4096xf32>
    %max3A_158 = arith.constant 0.000000e+00 : f32
    %max3A_159 = vector.broadcast %max3A_158 : f32 to vector<1x4096xf32>
    %max3A_160 = arith.maximumf %slice3A_90, %max3A_159 : vector<1x4096xf32>
    %pow3A = arith.constant 1.200000e+00 : f32
    %pow3A_161 = vector.broadcast %pow3A : f32 to vector<1x4096xf32>
    %pow3A_162 = math.powf %max3A_160, %pow3A_161 : vector<1x4096xf32>
    %slice3A_163 = vector.extract_strided_slice %tanh3A {offsets = [0, 0], sizes = [1, 4096], strides = [1, 1]} : vector<3x4096xf32> to vector<1x4096xf32>
    %slice3A_164 = vector.extract_strided_slice %tanh3A {offsets = [1, 0], sizes = [1, 4096], strides = [1, 1]} : vector<3x4096xf32> to vector<1x4096xf32>
    %slice3A_165 = vector.extract_strided_slice %tanh3A {offsets = [2, 0], sizes = [1, 4096], strides = [1, 1]} : vector<3x4096xf32> to vector<1x4096xf32>
    %broadcast_in_dim3A_166 = arith.constant 0.000000e+00 : f32
    %broadcast_in_dim3A_167 = vector.broadcast %broadcast_in_dim3A_166 : f32 to vector<1x4096xf32>
    %broadcast_in_dim3A_168 = arith.constant 0.000000e+00 : f32
    %broadcast_in_dim3A_169 = vector.broadcast %broadcast_in_dim3A_168 : f32 to vector<1x4096xf32>
    %concatenate3A_170 = tpu.concatenate %add3A_89, %logistic3A_111, %slice3A_163, %slice3A_92, %mul3A_157, %slice3A_164, %sqrt3A, %slice3A_165, %pow3A_162, %broadcast_in_dim3A_167, %broadcast_in_dim3A_169 in 0 : vector<6x4096xf32>, vector<1x4096xf32>, vector<1x4096xf32>, vector<1x4096xf32>, vector<1x4096xf32>, vector<1x4096xf32>, vector<1x4096xf32>, vector<1x4096xf32>, vector<1x4096xf32>, vector<1x4096xf32>, vector<1x4096xf32> -> vector<16x4096xf32>
    %broadcast_in_dim3A_171 = vector.shape_cast %concatenate3A_170 : vector<16x4096xf32> to vector<16x1x1x4096xf32>
    %swap3A = arith.constant 0 : index
    %swap3A_172 = arith.constant 0 : index
    %swap3A_173 = arith.constant 0 : index
    %swap3A_174 = arith.constant 0 : index
    %swap3A_175 = vector.load %arg7[%swap3A, %swap3A_172, %swap3A_173, %swap3A_174] : memref<16x1x1x4096xf32, #tpu.memory_space<vmem>>, vector<16x1x1x4096xf32>
    tpu.vector_store %arg7[%swap3A, %swap3A_172, %swap3A_173, %swap3A_174], %broadcast_in_dim3A_171 {strides = array<i32>} : memref<16x1x1x4096xf32, #tpu.memory_space<vmem>>, vector<16x1x1x4096xf32>,
    return
  }
  func.func @transform_0(%arg0: i32, %arg1: i32) -> (i32, i32, i32) {
    %c0_i32 = arith.constant 0 : i32
    %c0_i32_0 = arith.constant 0 : i32
    return %arg0, %c0_i32, %arg1 : i32, i32, i32
  }
  func.func @transform_1(%arg0: i32, %arg1: i32) -> (i32, i32) {
    %c0_i32 = arith.constant 0 : i32
    %c0_i32_0 = arith.constant 0 : i32
    %c0_i32_1 = arith.constant 0 : i32
    return %c0_i32, %c0_i32_0 : i32, i32
  }
  func.func @transform_2(%arg0: i32, %arg1: i32) -> (i32, i32) {
    %c0_i32 = arith.constant 0 : i32
    %c0_i32_0 = arith.constant 0 : i32
    %c0_i32_1 = arith.constant 0 : i32
    return %c0_i32, %c0_i32_0 : i32, i32
  }
  func.func @transform_3(%arg0: i32, %arg1: i32) -> (i32, i32, i32) {
    %c0_i32 = arith.constant 0 : i32
    %c0_i32_0 = arith.constant 0 : i32
    return %arg0, %c0_i32, %arg1 : i32, i32, i32
  }
  func.func @transform_4(%arg0: i32, %arg1: i32) -> (i32, i32, i32, i32) {
    %c0_i32 = arith.constant 0 : i32
    %c0_i32_0 = arith.constant 0 : i32
    %c0_i32_1 = arith.constant 0 : i32
    return %c0_i32, %arg0, %c0_i32_0, %arg1 : i32, i32, i32, i32
  }
  func.func @transform_5(%arg0: i32, %arg1: i32) -> (i32, i32, i32, i32) {
    %c0_i32 = arith.constant 0 : i32
    %c0_i32_0 = arith.constant 0 : i32
    %c0_i32_1 = arith.constant 0 : i32
    return %c0_i32, %arg0, %c0_i32_0, %arg1 : i32, i32, i32, i32
  }
}

</mosaic_0001>

<sc_bundles>
// kernel: kernel.4.cloned.1.call-start
scs
__scs_entry_jumppad:
0x0: {  	(pc) =	sbr.rel $0x88, $3  }
0x1: {  	(tag) =	ssettag $0x0;
	lr =	simm.s32 $0x1  }
0x2: {  	[smem:$0x3F9C] =	sst lr;
	_ =	strace $0xD0000000  }
0x3: {  	_ = 	snop  }
0x4: {  	_ = 	snop  }
0x5: {  	_ = 	snop  }
0x6: {  	_ = 	snop  }
0x7: {  	_ = 	snop  }
__scs_overlays_trampoline_lowered:
0x8: {  	[smem:$0x3FAB] =	sst s0  }
0x9: {  	[smem:$0x3FAC] =	sst s1  }
0xa: {  	[smem:$0x3FAD] =	sst s2  }
0xb: {  	[smem:$0x3FAE] =	sst s3  }
0xc: {  	[smem:$0x3FAF] =	sst s4  }
0xd: {  	[smem:$0x3FB0] =	sst s5  }
0xe: {  	[smem:$0x3FB1] =	sst s6  }
0xf: {  	[smem:$0x3FB2] =	sst s7  }
0x10: {  	[smem:$0x3FB3] =	sst s8  }
0x11: {  	[smem:$0x3FB4] =	sst s9;
	s0 =	simm.s32 @!p0 $0x0  }
0x12: {  	s1 =	sld [smem:$0x3F9A];
	s0 =	simm.s32 @p0 $0x1  }
0x13: {  	[smem:$0x3FB5] =	sst s0;
	s0 =	simm.s32 @!p1 $0x0  }
0x14: {  	s2 =	sld [smem:$0x3F99];
	s0 =	simm.s32 @p1 $0x1  }
0x15: {  	[smem:$0x3FB6] =	sst s0;
	s0 =	simm.s32 @!p2 $0x0  }
0x16: {  	s3 =	sld [smem:$0x3FDB];
	s0 =	simm.s32 @p2 $0x1  }
0x17: {  	s4 =	simm.s32 $0x1BF5;
	[smem:$0x3FB8] =	sst s0  }
0x18: {  	s0 =	sld [smem:$0x3F9B];
	_ =	swait.ge [sflag:s4], $0x0  }
0x19: {  	s7 =	sld [smem:$0x3F9C]  }
0x1a: {  	s8 =	sadd.s32 $0xFFFFE003, lr  }
0x1b: {  	s9 =	sadd.s32 $0xFFFFFEF7, lr;
	s5 =	simm.s32 $0xFFFFFFFF;
	p2 =	slt.u32 s8, $0xFFFFF086  }
0x1c: {  	p1 =	slt.u32 s9, $0xF7A;
	s5 =	simm.s32 @!p2 $0x0  }
0x1d: {  	s5 =	simm.s32 @p1 $0x1;
	p0 =	seq.s32 s7, s2  }
0x1e: {  	s7 =	smul.u32 @!p0 $0xF7A, s2;
	p2 =	seq.s32 @!p0 s5, $0x0  }
0x1f: {  	s9 =	smul.u32 $0xF7A, s1;
	s8 =	simm.s32 @!p0 $0x1BF5;
	p2 =	por !p2, p0  }
0x20: {  	[sflag:s8] =	ssyncset.s32 @!p0 $0xFFFFF086;
	s6 =	sadd.s32 @!p0 s3, s7;
	s7 =	simm.s32 @!p0 $0x108  }
0x21: {  	s3 =	sadd.s32 s3, s9;
	s6 =	sadd.s32 @!p0 $0x88, s6;
	s7 =	simm.s32 @p2 $0x1082  }
0x22: {  	[simem:s7], [sflag:s8] =	dma.local @!p0 [hbm:s6], $0xF7A  }
0x23: {  	s9 =	sor.u32 $0xD0000000, s2;
	s6 =	simm.s32 $0x108;
	_ =	swait.ge @!p0 [sflag:s8], $0x0  }
0x24: {  	s3 =	sadd.s32 $0x88, s3;
	s6 =	simm.s32 @!p1 $0x1082;
	[sflag:s4] =	ssyncset.s32 $0xFFFFF086  }
0x25: {  	[simem:s6], [sflag:s4] =	dma.local [hbm:s3], $0xF7A  }
0x26: {  	[smem:$0x3F9C] =	sst s1;
	(tag) =	ssettag s2;
	_ =	strace s9  }
0x27: {  	s1 =	sld [smem:$0x3FAC]  }
0x28: {  	s2 =	sld [smem:$0x3FAD]  }
0x29: {  	s4 =	sld [smem:$0x3FAF]  }
0x2a: {  	p0 =	seq.s32 s5, $0x0;
	s5 =	sld [smem:$0x3FB0]  }
0x2b: {  	s6 =	sld [smem:$0x3FB1]  }
0x2c: {  	s7 =	sld [smem:$0x3FB2]  }
0x2d: {  	s3 =	simm.s32 $0x108;
	s8 =	sld [smem:$0x3FB3]  }
0x2e: {  	s3 =	simm.s32 @!p0 $0x1082;
	s9 =	sld [smem:$0x3FB4]  }
0x2f: {  	lr =	sadd.s32 s0, s3;
	s0 =	sld [smem:$0x3FAB]  }
0x30: {  	s3 =	sld [smem:$0x3FAE]  }
0x31: {  	[smem:$0x3FB7] =	sst s10  }
0x32: {  	s10 =	sld [smem:$0x3FB5];
	_ =	sdelay $0x3  }
0x33: {  	p0 =	seq.s32 s10, $0x1;
	s10 =	sld [smem:$0x3FB7];
	_ =	sdelay $0x3  }
0x34: {  	[smem:$0x3FB7] =	sst s10  }
0x35: {  	s10 =	sld [smem:$0x3FB6];
	_ =	sdelay $0x3  }
0x36: {  	p1 =	seq.s32 s10, $0x1;
	s10 =	sld [smem:$0x3FB7];
	_ =	sdelay $0x3  }
0x37: {  	[smem:$0x3FB7] =	sst s10  }
0x38: {  	s10 =	sld [smem:$0x3FB8]  }
0x39: {  	_ = 	snop;
	(pc) =	sbr.ind lr, $3  }
0x3a: {  	_ = 	snop  }
0x3b: {  	_ = 	snop  }
0x3c: {  	p2 =	seq.s32 s10, $0x1;
	s10 =	sld [smem:$0x3FB7]  }
0x3d: {  	_ =	shalt  }
0x3e: {  	_ =	shalt  }
0x3f: {  	_ =	shalt  }
0x40: {  	_ =	shalt  }
0x41: {  	_ =	shalt  }
0x42: {  	_ =	shalt  }
0x43: {  	_ =	shalt  }
0x44: {  	_ =	shalt  }
0x45: {  	_ =	shalt  }
0x46: {  	_ =	shalt  }
0x47: {  	_ =	shalt  }
0x48: {  	_ =	shalt  }
0x49: {  	_ =	shalt  }
0x4a: {  	_ =	shalt  }
0x4b: {  	_ =	shalt  }
0x4c: {  	_ =	shalt  }
0x4d: {  	_ =	shalt  }
0x4e: {  	_ =	shalt  }
0x4f: {  	_ =	shalt  }
0x50: {  	_ =	shalt  }
0x51: {  	_ =	shalt  }
0x52: {  	_ =	shalt  }
0x53: {  	_ =	shalt  }
0x54: {  	_ =	shalt  }
0x55: {  	_ =	shalt  }
0x56: {  	_ =	shalt  }
0x57: {  	_ =	shalt  }
0x58: {  	_ =	shalt  }
0x59: {  	_ =	shalt  }
0x5a: {  	_ =	shalt  }
0x5b: {  	_ =	shalt  }
0x5c: {  	_ =	shalt  }
0x5d: {  	_ =	shalt  }
0x5e: {  	_ =	shalt  }
0x5f: {  	_ =	shalt  }
0x60: {  	_ =	shalt  }
0x61: {  	_ =	shalt  }
0x62: {  	_ =	shalt  }
0x63: {  	_ =	shalt  }
0x64: {  	_ =	shalt  }
0x65: {  	_ =	shalt  }
0x66: {  	_ =	shalt  }
0x67: {  	_ =	shalt  }
0x68: {  	_ =	shalt  }
0x69: {  	_ =	shalt  }
0x6a: {  	_ =	shalt  }
0x6b: {  	_ =	shalt  }
0x6c: {  	_ =	shalt  }
0x6d: {  	_ =	shalt  }
0x6e: {  	_ =	shalt  }
0x6f: {  	_ =	shalt  }
0x70: {  	_ =	shalt  }
0x71: {  	_ =	shalt  }
0x72: {  	_ =	shalt  }
0x73: {  	_ =	shalt  }
0x74: {  	_ =	shalt  }
0x75: {  	_ =	shalt  }
0x76: {  	_ =	shalt  }
0x77: {  	_ =	shalt  }
0x78: {  	_ =	shalt  }
0x79: {  	_ =	shalt  }
0x7a: {  	_ =	shalt  }
0x7b: {  	_ =	shalt  }
0x7c: {  	_ =	shalt  }
0x7d: {  	_ =	shalt  }
0x7e: {  	_ =	shalt  }
0x7f: {  	_ =	shalt  }
0x80: {  	_ =	shalt  }
0x81: {  	_ =	shalt  }
0x82: {  	_ =	shalt  }
0x83: {  	_ =	shalt  }
0x84: {  	_ =	shalt  }
0x85: {  	_ =	shalt  }
0x86: {  	_ =	shalt  }
0x87: {  	_ =	shalt  }
.Lfunc_end0:
.L_simem_size_0:
called_computation_lowered:
.L_overlay_start_0:
0x88: {  	s2 =	sld [smem:$0x3FD9]  }
0x89: {  	s3 =	sld [smem:$0x3FFE];
	_ =	sdelay $0x1  }
0x8a: {  	s1 =	srdreg.scid  }
0x8b: {  	s0 =	sand.u32 $0x1, s1  }
0x8c: {  	s14 =	sshll.u32 s0, $0xA;
	s2 =	sadd.s32 s3, s2  }
0x8d: {  	s2 =	sadd.s32 s2, s14  }
0x8e: {  	[smem:$0x3FC3] =	sst s2  }
0x8f: {  	_ = 	snop  }
0x90: {  	s2 =	sld [smem:$0x3FD0];
	_ =	sdelay $0x2  }
0x91: {  	s15 =	simm.s32 $0xA;
	s4 =	simm.s32 $0x10  }
0x92: {  	[smem:s4], [sflag:s15] =	dma.local [hbm:s2], $0x1  }
0x93: {  	_ =	swait.eq [sflag:s15], $0x1  }
0x94: {  	[sflag:s15] =	ssyncset.done $0x0  }
0x95: {  	s16 =	sld [smem:$0x10];
	[sflag:s15] =	ssyncadd.s32 $0xFFFFFFFF  }
0x96: {  	s17 =	sld [smem:$0x11];
	(tm) =	ssettm $0x1  }
0x97: {  	s18 =	sld [smem:$0x3FFB];
	_ =	sdelay $0x3  }
0x98: {  	_ =	strace s18  }
0x99: {  	s4 =	sld [smem:$0x3FFC];
	_ =	sdelay $0x3  }
0x9a: {  	_ =	strace s4  }
0x9b: {  	s4 =	sld [smem:$0x3FFD];
	_ =	sdelay $0x3  }
0x9c: {  	_ =	strace s4  }
0x9d: {  	_ =	strace $0x8FFFFFFF  }
0x9e: {  	s19 =	sld [smem:$0x3FDB];
	_ =	sdelay $0x1  }
0x9f: {  	s5 =	simm.s32 $_scs_section_size  }
0xa0: {  	s6 =	simm.s32 $_size__tile_overlayer_lowered;
	s7 =	simm.s32 $_tile_overlayer_lowered  }
0xa1: {  	s22 =	simm.s32 $0x1BFF;
	s21 =	sshll.u32 s7, $0x1;
	s4 =	sadd.s32 s5, s19  }
0xa2: {  	s8 =	simm.s32 $0x0;
	s20 =	sshll.u32 s6, $0x1;
	s6 =	sadd.s32 s21, s4  }
0xa3: {  	[timem:s8], [sflag:s22] =	dma.local [hbm:s6], s20  }
0xa4: {  	_ =	swait.ge [sflag:s22], s20  }
0xa5: {  	s5 =	ssub.s32 $0x0, s20;
	[sflag:s22] =	ssyncset.done $0x0  }
0xa6: {  	[sflag:s22] =	ssyncadd.s32 s5;
	_ =	sdelay $0x1  }
0xa7: {  	s23 =	simm.s32 $0x1B8B  }
0xa8: {  	_ =	swait.ge [sflag:s23], $0x1  }
0xa9: {  	[sflag:s23] =	ssyncset.done $0x0  }
0xaa: {  	s25 =	simm.s32 $0x1B8E;
	s24 =	sld [smem:$0x3FFE];
	[sflag:s23] =	ssyncadd.s32 $0xFFFFFFFF  }
0xab: {  	s26 =	simm.s32 $execute0_lowered;
	[smem:$0x3FD2] =	sst s25  }
0xac: {  	s6 =	sshll.u32 s26, $0x1;
	_ =	strace $0x80000046;
	[dreg:$0x1] =	wrdreg $0xFFFFFFFF  }
0xad: {  	s28 =	simm.s32 $_size_execute0_lowered;
	s4 =	sadd.s32 s4, s6;
	[dreg:$0x0] =	wrdreg $0x0  }
0xae: {  	s6 =	sshll.u32 s28, $0x1;
	[dreg:$0x2] =	wrdreg s4  }
0xaf: {  	[dreg:$0x3] =	wrdreg s6  }
0xb0: {  	[dreg:$0x4] =	wrdreg $0xC0  }
0xb1: {  	_ =	task [dreg:s8], $0x5FFFF  }
0xb2: {  	[dreg:$0x1] =	wrdreg $0xFFFFFFFF  }
0xb3: {  	[dreg:$0x0] =	wrdreg $0x60  }
0xb4: {  	[dreg:$0x2] =	wrdreg s24  }
0xb5: {  	[dreg:$0x3] =	wrdreg s17  }
0xb6: {  	[dreg:$0x4] =	wrdreg s16  }
0xb7: {  	[dreg:$0x5] =	wrdreg $0x9  }
0xb8: {  	_ =	task.clear_ibuf [dreg:s8], $0x6FFFF;
	_ =	strace $0x90000046  }
0xb9: {  	s29 =	simm.s32 $0x9;
	_ =	strace $0x80000048  }
0xba: {  	_ =	swait.ge [sflag:s29], $0x1  }
0xbb: {  	[sflag:s29] =	ssyncadd.s32 $0xFFFFFFFF  }
0xbc: {  	_ =	strace $0x90000048  }
0xbd: {  	_ =	sfence  }
0xbe: {  	s30 =	sld [smem:$0x0];
	_ =	sdelay $0x2  }
0xbf: {  	s31 =	sshll.u32 s1, $0xD;
	s1 =	sshrl.u32 s1, $0x2  }
0xc0: {  	s3 =	sand.u32 $0x4000, s31;
	s1 =	sadd.s32 s1, s30  }
0xc1: {  	s0 =	sor.u32 s3, s0;
	s1 =	sshll.u32 s1, $0x11  }
0xc2: {  	s0 =	sor.u32 s1, s0  }
0xc3: {  	s0 =	sadd.s32 $0x8F2B, s0  }
0xc4: {  	[sflag:s0] =	ssyncadd.remote.s32 $0x1  }
0xc5: {  	_ =	sfence.sel $0xFFFF  }
0xc6: {  	[dreg:$0x0] =	wrdreg $0xFFFFFFFF;
	(pc) =	sbr.abs _section_cstart, $3  }
0xc7: {  	[dreg:$0x1] =	wrdreg $0xFFFFFFFF  }
0xc8: {  	_ =	task.clear_ibuf [dreg:s8], $0x2FFFF;
	_ =	strace $0x9FFFFFFF  }
0xc9: {  	(tm) =	ssettm $0x7FFFFFFF  }
tec
execute0_lowered:
.L_overlay_start_1:
0x0: {  	(tag) =	ssettag $0x1  }
0x1: {  	s3 =	rddreg [dreg:$0x0]  }
0x2: {  	s4 =	rddreg [dreg:$0x1]  }
0x3: {  	s5 =	rddreg [dreg:$0x2]  }
0x4: {  	s0 =	rddreg [dreg:$0x3];
	s6 =	srdreg.scid  }
0x5: {  	s2 =	simm.s32 $0x0;
	s1 =	stileid.u32;
	s11 =	simm.s32 $0x1  }
0x6: {  	s12 =	simm.s32 $0x4400;
	s13 =	simm.s32 $0x4800;
	s14 =	simm.s32 $0x4C00  }
0x7: {  	s15 =	simm.s32 $0x0;
	s6 =	sand.u32 $0x1, s6;
	[smem:$0x7FF] =	sst s2  }
0x8: {  	s7 =	sshll.u32 s1, $0xB;
	s8 =	sshll.u32 s6, $0xA;
	s6 =	ssub.s32 $0x2, s6  }
0x9: {  	_ =	strace $0x80000047;
	s7 =	sor.u32 s8, s7;
	s9 =	sshrl.u32 s6, $0x1  }
0xa: {  	s8 =	sshrl.u32 s7, $0x3;
	s7 =	sadd.s32 s7, s3;
	s9 =	ssub.s32 s6, s9  }
0xb: {  	s10 =	sadd.s32 s8, s3;
	s3 =	sadd.s32 $0x600, s7;
	s4 =	sadd.s32 s4, s8  }
0xc: {  	s5 =	sadd.s32 s5, s8;
	s7 =	sadd.s32 $0x10600, s7;
	s8 =	smax.u32 s9, $0x1  }
0xd: {  	v0 =	vimm.s32 $0x0;
	s9 =	simm.s32 $0x2000;
	s6 =	sadd.s32 $0x18600, s10;
	s10 =	simm.s32 $0x40000  }
.LBB2_1:
0xe: {  	[tilespmem:s2], [sflag:$0x1] =	stream.strided.gather [hbm4b:s3+s9], $0x4000, s10, s9, $0x38;
	[tilespmem:$0x6C00] =	vst v63  }
0xf: {  	_ =	swait.ge [sflag:s11], $0x4000  }
0x10: {  	[sflag:s11] =	ssyncset.done $0x0  }
0x11: {  	s16 =	simm.s32 $0x4000;
	[sflag:s11] =	ssyncadd.s32 $0xFFFFC000  }
0x12: {  	[tilespmem:s16], [sflag:$0x1] =	stream.linear.gather [hbm4b:s4+s2], $0x400, $0x38;
	[tilespmem:$0x6C00] =	vst v63  }
0x13: {  	_ =	swait.ge [sflag:s11], $0x400  }
0x14: {  	s17 =	sand.u32 $0x70, s2;
	s18 =	sand.u32 $0x1C00, s2;
	[sflag:s11] =	ssyncset.done $0x0  }
0x15: {  	s19 =	sor.u32 s17, s18;
	[sflag:s11] =	ssyncadd.s32 $0xFFFFFC00  }
0x16: {  	v1 =	vld [tilespmem:s19+$0x2100]  }
0x17: {  	v2 =	vld [tilespmem:s19+$0x2000]  }
0x18: {  	v3 =	vld [tilespmem:s19+$0x180]  }
0x19: {  	v4 =	vld [tilespmem:s19+$0x2080]  }
0x1a: {  	v5 =	vld [tilespmem:s19+$0x300]  }
0x1b: {  	v6 =	vld [tilespmem:s19+$0x80]  }
0x1c: {  	v7 =	vld [tilespmem:s19+$0x100]  }
0x1d: {  	v8 =	vld [tilespmem:s19+$0x0]  }
0x1e: {  	v9 =	vld [tilespmem:s19+$0x200]  }
0x1f: {  	v11 =	vld [tilespmem:s19+$0x2200]  }
0x20: {  	v10 =	vld [tilespmem:s19+$0x280];
	_ =	sdelay $0x1  }
0x21: {  	v13 =	vld [tilespmem:s19+$0x2180];
	v12 =	vmul.f32 $3.000000120e-01, v5;
	v2 =	vmul.f32 $8.000000110e-01, v2;
	v14 =	vmax.f32 v7, v3  }
0x22: {  	v4 =	vmul.f32 $4.000000060e-01, v4;
	vm0 =	vgt.f32 v6, v8;
	v1 =	vmul.f32 $8.999999760e-01, v1  }
0x23: {  	v15 =	vmax.f32 v8, v6;
	v11 =	vmul.f32 $2.000000030e-01, v11;
	v5 =	vmul.f32 $4.000000060e-01, v5  }
0x24: {  	v16 =	vsel vm0, v6, v8;
	v14 =	vmax.f32 v15, v14;
	v15 =	vmax.f32 v9, v10  }
0x25: {  	vm1 =	vgt.f32 v7, v16;
	v2 =	vadd.f32 v4, v2;
	v14 =	vmax.f32 v14, v15  }
0x26: {  	v15 =	vadd.f32 $1.000000000e+00, v13;
	v4 =	vsel vm1, v7, v16;
	v7 =	vsub.f32 v7, v14  }
0x27: {  	v13 =	vmul.f32 $2.500000000e+00, v13;
	v8 =	vsub.f32 v8, v14;
	v16 =	vsub.f32 v9, v14  }
0x28: {  	v6 =	vsub.f32 v6, v14;
	v17 =	vsub.f32 v3, v14;
	v7 =	vmul.f32 $1.666666630e+00, v7  }
0x29: {  	vm3 =	vgt.f32 v3, v4;
	v8 =	vmul.f32 $1.666666630e+00, v8;
	v16 =	vmul.f32 $1.666666630e+00, v16  }
0x2a: {  	v3 =	vsel vm3, v3, v4;
	v4 =	vmul.f32 $1.666666630e+00, v6;
	v6 =	vmul.f32 $1.666666630e+00, v17  }
0x2b: {  	v14 =	vsub.f32 v10, v14;
	v8 =	vmul.f32 $1.442695020e+00, v8;
	v7 =	vmul.f32 $1.442695020e+00, v7  }
0x2c: {  	v18 =	vld [tilespmem:s19+$0x2280];
	vm2 =	vgt.f32 v9, v3;
	v4 =	vmul.f32 $1.442695020e+00, v4;
	v6 =	vmul.f32 $1.442695020e+00, v6  }
0x2d: {  	v17 =	vld [tilespmem:s19+$0x380];
	v3 =	vsel vm2, v9, v3;
	v9 =	vmul.f32 $1.666666630e+00, v14;
	(erf) = vpow2.f32 v8  }
0x2e: {  	v14 =	vsel vm0, $0x1, v0;
	v8 =	vmul.f32 $1.442695020e+00, v16;
	(erf) = vpow2.f32 v7  }
0x2f: {  	v7 =	vmul.f32 $1.442695020e+00, v9;
	v9 =	vsel vm1, $0x2, v14;
	(erf) = vpow2.f32 v4;
	v4 =	vld [tilespmem:s16+$0x0]  }
0x30: {  	vm0 =	vgt.f32 v10, v3;
	v9 =	vsel vm3, $0x3, v9;
	(erf) = vpow2.f32 v8  }
0x31: {  	vm0 =	vmneg vm0;
	v3 =	vsel vm2, $0x4, v9;
	(erf) = vpow2.f32 v6  }
0x32: {  	v8 =	vadd.f32 v18, v13;
	v6 =	vmul.f32 v15, v17;
	v3 =	vnsel vm0, $0x5, v3  }
0x33: {  	(erf) = vpow2.f32 v7;
	v7 =	vadd.f32 $-1.500000060e-01, v12;
	vm1 =	veq.s32 v3, $0x0  }
0x34: {  	v6 =	vnsel vm1, $0x0, v6;
	vm1 =	veq.s32 v3, $0x1;
	v1 =	vadd.f32 v4, v1  }
0x35: {  	v4 =	vsel vm1, v7, v6;
	vm1 =	veq.s32 v3, $0x2;
	v6 =	vadd.f32 $-5.000000000e-01, v8  }
0x36: {  	v2 =	vsel vm1, v2, v4;
	vm1 =	veq.s32 v3, $0x3;
	v10 =	vpop (erf)  }
0x37: {  	vm2 =	vmand vm2, vm0;
	v4 =	vadd.f32 v11, v5;
	v1 =	vsel vm1, v1, v2;
	v16 =	vpop (erf)  }
0x38: {  	v1 =	vsel vm2, v6, v1;
	v18 =	vpop (erf)  }
0x39: {  	s26 =	simm.s32 $0x10;
	s28 =	simm.s32 $0x80;
	v1 =	vsel vm0, v1, v4;
	v6 =	vpop (erf)  }
0x3a: {  	s17 =	sand.u32 $0x1C00, s28;
	s16 =	sand.u32 $0x70, s26;
	[tilespmem:s12+$0x0] =	vst v1;
	v21 =	vpop (erf)  }
0x3b: {  	s16 =	sor.u32 s16, s17;
	v1 =	vadd.f32 v18, v10;
	[tilespmem:s13+$0x0] =	vst v3;
	v2 =	vadd.f32 v21, v16  }
0x3c: {  	v7 =	vpop (erf);
	v3 =	vld [tilespmem:s16+$0x2100]  }
0x3d: {  	v5 =	vld [tilespmem:s16+$0x2000];
	v4 =	vadd.f32 v7, v6;
	v1 =	vadd.f32 v2, v1  }
0x3e: {  	v9 =	vld [tilespmem:s16+$0x180]  }
0x3f: {  	v8 =	vld [tilespmem:s16+$0x2080];
	v2 =	vadd.f32 v1, v4  }
0x40: {  	v11 =	vld [tilespmem:s16+$0x80]  }
0x41: {  	v14 =	vld [tilespmem:s16+$0x0];
	(erf) = vrcp.f32 v2  }
0x42: {  	v13 =	vld [tilespmem:s16+$0x100]  }
0x43: {  	v19 =	vld [tilespmem:s16+$0x2200]  }
0x44: {  	v12 =	vld [tilespmem:s16+$0x2180]  }
0x45: {  	v15 =	vld [tilespmem:s16+$0x200]  }
0x46: {  	v1 =	vld [tilespmem:s16+$0x300];
	v17 =	vmul.f32 $4.000000060e-01, v8;
	vm0 =	vgt.f32 v11, v14  }
0x47: {  	v20 =	vld [tilespmem:s16+$0x380];
	v5 =	vmul.f32 $8.000000110e-01, v5;
	v24 =	vsel vm0, v11, v14  }
0x48: {  	v22 =	vmax.f32 v13, v9;
	v23 =	vmax.f32 v14, v11;
	v8 =	vld [tilespmem:s16+$0x280];
	vm1 =	vgt.f32 v13, v24  }
0x49: {  	v4 =	vmul.f32 $8.999999760e-01, v3;
	v25 =	vadd.f32 $1.000000000e+00, v12;
	v24 =	vsel vm1, v13, v24  }
0x4a: {  	v3 =	vadd.f32 v17, v5;
	v5 =	vmul.f32 $2.000000030e-01, v19;
	vm3 =	vgt.f32 v9, v24;
	v17 =	vpop (erf)  }
0x4b: {  	s30 =	simm.s32 $0x20;
	s21 =	simm.s32 $0x4810;
	s25 =	simm.s32 $0x100;
	v2 =	vmul.f32 $3.000000120e-01, v1;
	v24 =	vsel vm3, v9, v24;
	v26 =	vmul.f32 v17, v10  }
0x4c: {  	s29 =	simm.s32 $0x30;
	s20 =	simm.s32 $0x4010;
	s24 =	simm.s32 $0x4010;
	vm2 =	vgt.f32 v15, v24;
	v27 =	vmul.f32 v17, v18;
	v10 =	vmul.f32 v25, v20  }
0x4d: {  	s23 =	simm.s32 $0x4410;
	s31 =	sand.u32 $0x70, s30;
	s22 =	sand.u32 $0x1C00, s25;
	v19 =	vld [tilespmem:s16+$0x2280];
	v20 =	vmul.f32 v17, v16;
	v16 =	vmax.f32 v23, v22;
	v18 =	vmax.f32 v15, v8;
	[tilespmem:s19+$0x4C00] =	vst v26  }
0x4e: {  	s18 =	simm.s32 $0x4820;
	s22 =	sor.u32 s31, s22;
	s17 =	simm.s32 $0x4410;
	v21 =	vmul.f32 v17, v21;
	v18 =	vmax.f32 v16, v18;
	v16 =	vsel vm2, v15, v24;
	[tilespmem:s19+$0x4C80] =	vst v27  }
.LBB2_2:
0x4f: {  	s20 =	sadd.s32 $0x10, s20  }
0x50: {  	v14 =	vsub.f32 v14, v18;
	v13 =	vsub.f32 v13, v18;
	s17 =	sadd.s32 $0x10, s17;
	[tilespmem:s19+$0x4D00] =	vst v20;
	v6 =	vmul.f32 v17, v6;
	s28 =	smov.u32 s29;
	s26 =	sadd.s32 $0x10, s29  }
0x51: {  	p0 =	sne.s32 s29, $0x3F0;
	v15 =	vsub.f32 v15, v18;
	v12 =	vmul.f32 $2.500000000e+00, v12;
	v7 =	vmul.f32 v17, v7;
	[tilespmem:s19+$0x4D80] =	vst v21  }
0x52: {  	v11 =	vsub.f32 v11, v18;
	v9 =	vsub.f32 v9, v18;
	v13 =	vmul.f32 $1.666666630e+00, v13;
	[tilespmem:s19+$0x4E00] =	vst v6  }
0x53: {  	v6 =	vmul.f32 $1.666666630e+00, v14;
	v14 =	vmul.f32 $1.666666630e+00, v15;
	v12 =	vadd.f32 v19, v12;
	[tilespmem:s19+$0x4E80] =	vst v7;
	s19 =	smov.u32 s16;
	s16 =	smov.u32 s22  }
0x54: {  	v9 =	vmul.f32 $1.666666630e+00, v9;
	v7 =	vmul.f32 $1.666666630e+00, v11  }
0x55: {  	v6 =	vmul.f32 $1.442695020e+00, v6;
	v11 =	vmul.f32 $1.442695020e+00, v13;
	v13 =	vsub.f32 v8, v18  }
0x56: {  	v9 =	vmul.f32 $1.442695020e+00, v9;
	v7 =	vmul.f32 $1.442695020e+00, v7  }
0x57: {  	v13 =	vmul.f32 $1.666666630e+00, v13;
	(erf) = vpow2.f32 v6  }
0x58: {  	v6 =	vmul.f32 $1.442695020e+00, v14;
	v14 =	vsel vm0, $0x1, v0;
	(erf) = vpow2.f32 v11  }
0x59: {  	v11 =	vmul.f32 $1.442695020e+00, v13;
	v13 =	vsel vm1, $0x2, v14;
	(erf) = vpow2.f32 v7  }
0x5a: {  	vm0 =	vgt.f32 v8, v16;
	v13 =	vsel vm3, $0x3, v13;
	v7 =	vld [tilespmem:s24+$0x0];
	(erf) = vpow2.f32 v6;
	s24 =	smov.u32 s20  }
0x5b: {  	vm0 =	vmneg vm0;
	v6 =	vsel vm2, $0x4, v13;
	(erf) = vpow2.f32 v9  }
0x5c: {  	vm1 =	vmand vm2, vm0;
	v8 =	vnsel vm0, $0x5, v6;
	(erf) = vpow2.f32 v11  }
0x5d: {  	v2 =	vadd.f32 $-1.500000060e-01, v2;
	vm2 =	veq.s32 v8, $0x0  }
0x5e: {  	v1 =	vmul.f32 $4.000000060e-01, v1;
	v6 =	vnsel vm2, $0x0, v10;
	vm2 =	veq.s32 v8, $0x1  }
0x5f: {  	v2 =	vsel vm2, v2, v6;
	vm2 =	veq.s32 v8, $0x2;
	v4 =	vadd.f32 v7, v4  }
0x60: {  	v7 =	vadd.f32 $-5.000000000e-01, v12;
	v2 =	vsel vm2, v3, v2;
	vm2 =	veq.s32 v8, $0x3;
	v10 =	vpop (erf)  }
0x61: {  	v1 =	vadd.f32 v5, v1;
	v2 =	vsel vm2, v4, v2;
	v16 =	vpop (erf)  }
0x62: {  	v2 =	vsel vm1, v7, v2;
	v18 =	vpop (erf)  }
0x63: {  	v3 =	vadd.f32 v18, v10;
	v1 =	vsel vm0, v2, v1;
	v6 =	vpop (erf)  }
0x64: {  	[tilespmem:s23+$0x0] =	vst v1;
	v21 =	vpop (erf);
	s23 =	smov.u32 s17  }
0x65: {  	v1 =	vadd.f32 v21, v16;
	[tilespmem:s21+$0x0] =	vst v8;
	v7 =	vpop (erf);
	s21 =	smov.u32 s18  }
0x66: {  	v4 =	vld [tilespmem:s16+$0x2100];
	v2 =	vadd.f32 v7, v6  }
0x67: {  	v5 =	vld [tilespmem:s16+$0x2000];
	v1 =	vadd.f32 v1, v3  }
0x68: {  	v9 =	vld [tilespmem:s16+$0x180]  }
0x69: {  	v3 =	vld [tilespmem:s16+$0x2080];
	v2 =	vadd.f32 v1, v2  }
0x6a: {  	v1 =	vld [tilespmem:s16+$0x300]  }
0x6b: {  	v11 =	vld [tilespmem:s16+$0x80];
	(erf) = vrcp.f32 v2  }
0x6c: {  	v13 =	vld [tilespmem:s16+$0x100]  }
0x6d: {  	v14 =	vld [tilespmem:s16+$0x0]  }
0x6e: {  	v19 =	vld [tilespmem:s16+$0x2200]  }
0x6f: {  	v5 =	vmul.f32 $8.000000110e-01, v5;
	v2 =	vmul.f32 $3.000000120e-01, v1  }
0x70: {  	v12 =	vld [tilespmem:s16+$0x2180]  }
0x71: {  	v3 =	vmul.f32 $4.000000060e-01, v3;
	v15 =	vld [tilespmem:s16+$0x200];
	v22 =	vmax.f32 v13, v9  }
0x72: {  	v4 =	vmul.f32 $8.999999760e-01, v4;
	v20 =	vld [tilespmem:s16+$0x380];
	v23 =	vmax.f32 v14, v11;
	vm0 =	vgt.f32 v11, v14  }
0x73: {  	v3 =	vadd.f32 v3, v5;
	v8 =	vld [tilespmem:s16+$0x280];
	v24 =	vsel vm0, v11, v14  }
0x74: {  	vm1 =	vgt.f32 v13, v24;
	v17 =	vpop (erf)  }
.Ltmp0:
0x75: {  	v5 =	vmul.f32 $2.000000030e-01, v19;
	v24 =	vsel vm1, v13, v24;
	v25 =	vadd.f32 $1.000000000e+00, v12;
	(pc) =	sbr.rel @p0 .LBB2_2-.Ltmp0, $4  }
0x76: {  	v26 =	vmul.f32 v17, v10;
	v27 =	vmul.f32 v17, v18;
	vm3 =	vgt.f32 v9, v24  }
0x77: {  	s25 =	sadd.s32 $0x80, s25;
	v24 =	vsel vm3, v9, v24;
	v10 =	vmul.f32 v25, v20;
	v20 =	vmul.f32 v17, v16  }
0x78: {  	s22 =	sand.u32 $0x70, s28;
	s28 =	sand.u32 $0x1C00, s25;
	v16 =	vmax.f32 v23, v22;
	v19 =	vld [tilespmem:s16+$0x2280];
	v18 =	vmax.f32 v15, v8;
	vm2 =	vgt.f32 v15, v24;
	[tilespmem:s19+$0x4C00] =	vst v26  }
0x79: {  	s29 =	smov.u32 s26;
	s22 =	sor.u32 s22, s28;
	s18 =	sadd.s32 $0x10, s18;
	v21 =	vmul.f32 v17, v21;
	v18 =	vmax.f32 v16, v18;
	v16 =	vsel vm2, v15, v24;
	[tilespmem:s19+$0x4C80] =	vst v27  }
0x7a: {  	v14 =	vsub.f32 v14, v18;
	v13 =	vsub.f32 v13, v18;
	v6 =	vmul.f32 v17, v6  }
0x7b: {  	v15 =	vsub.f32 v15, v18;
	v12 =	vmul.f32 $2.500000000e+00, v12;
	v11 =	vsub.f32 v11, v18  }
0x7c: {  	v7 =	vmul.f32 v17, v7;
	v9 =	vsub.f32 v9, v18;
	v49 =	vsub.f32 v8, v18  }
0x7d: {  	[tilespmem:s19+$0x4D00] =	vst v20;
	v50 =	vsel vm0, $0x1, v0;
	vm12 =	vgt.f32 v8, v16;
	v2 =	vadd.f32 $-1.500000060e-01, v2  }
0x7e: {  	v1 =	vmul.f32 $4.000000060e-01, v1;
	[tilespmem:s19+$0x4D80] =	vst v21;
	v52 =	vsel vm1, $0x2, v50;
	v13 =	vmul.f32 $1.666666630e+00, v13  }
0x7f: {  	vm0 =	vmneg vm12;
	v14 =	vmul.f32 $1.666666630e+00, v14;
	v11 =	vmul.f32 $1.666666630e+00, v11;
	[tilespmem:s19+$0x4E00] =	vst v6  }
0x80: {  	v15 =	vmul.f32 $1.666666630e+00, v15;
	v9 =	vmul.f32 $1.666666630e+00, v9;
	[tilespmem:s19+$0x4E80] =	vst v7;
	vm5 =	vmand vm2, vm0  }
0x81: {  	v1 =	vadd.f32 v5, v1;
	v53 =	vld [tilespmem:s24+$0x0];
	v51 =	vmul.f32 $1.442695020e+00, v11;
	v11 =	vsel vm3, $0x3, v52  }
0x82: {  	v12 =	vadd.f32 v19, v12;
	v14 =	vmul.f32 $1.442695020e+00, v14;
	v54 =	vsel vm2, $0x4, v11  }
0x83: {  	v48 =	vmul.f32 $1.442695020e+00, v13;
	v9 =	vmul.f32 $1.442695020e+00, v9;
	v56 =	vnsel vm0, $0x5, v54  }
0x84: {  	v55 =	vmul.f32 $1.442695020e+00, v15;
	v58 =	vadd.f32 $-5.000000000e-01, v12;
	vm13 =	veq.s32 v56, $0x0  }
0x85: {  	(erf) = vpow2.f32 v14;
	vm14 =	veq.s32 v56, $0x1;
	v57 =	vnsel vm13, $0x0, v10  }
0x86: {  	vm15 =	veq.s32 v56, $0x2;
	v4 =	vadd.f32 v53, v4;
	v2 =	vsel vm14, v2, v57  }
0x87: {  	(erf) = vpow2.f32 v48;
	vm4 =	veq.s32 v56, $0x3;
	v2 =	vsel vm15, v3, v2  }
0x88: {  	v13 =	vmul.f32 $1.666666630e+00, v49;
	(erf) = vpow2.f32 v51;
	v2 =	vsel vm4, v4, v2  }
0x89: {  	(erf) = vpow2.f32 v55;
	v2 =	vsel vm5, v58, v2  }
0x8a: {  	v3 =	vmul.f32 $1.442695020e+00, v13;
	(erf) = vpow2.f32 v9;
	v1 =	vsel vm0, v2, v1  }
0x8b: {  	[tilespmem:s23+$0x0] =	vst v1  }
0x8c: {  	(erf) = vpow2.f32 v3;
	[tilespmem:s21+$0x0] =	vst v56  }
0x8d: {  	v1 =	vld [tilespmem:s22+$0x180]  }
0x8e: {  	v2 =	vld [tilespmem:s22+$0x80]  }
0x8f: {  	v3 =	vpop (erf);
	v59 =	vld [tilespmem:s22+$0x100]  }
0x90: {  	v60 =	vpop (erf);
	v6 =	vld [tilespmem:s22+$0x0]  }
0x91: {  	v62 =	vld [tilespmem:s22+$0x200];
	v61 =	vpop (erf)  }
0x92: {  	v28 =	vld [tilespmem:s22+$0x280];
	v63 =	vpop (erf)  }
0x93: {  	v29 =	vpop (erf)  }
0x94: {  	v30 =	vadd.f32 v61, v3;
	v31 =	vadd.f32 v29, v60  }
0x95: {  	v32 =	vpop (erf);
	v34 =	vmax.f32 v59, v1  }
0x96: {  	v35 =	vmax.f32 v6, v2;
	v33 =	vadd.f32 v32, v63;
	v12 =	vadd.f32 v31, v30  }
0x97: {  	v36 =	vmax.f32 v62, v28;
	v13 =	vmax.f32 v35, v34  }
0x98: {  	v13 =	vmax.f32 v13, v36;
	v12 =	vadd.f32 v12, v33  }
0x99: {  	v37 =	vsub.f32 v6, v13;
	v16 =	vsub.f32 v59, v13  }
0x9a: {  	v38 =	vsub.f32 v62, v13;
	v39 =	vsub.f32 v2, v13;
	(erf) = vrcp.f32 v12  }
0x9b: {  	v40 =	vsub.f32 v1, v13;
	v16 =	vmul.f32 $1.666666630e+00, v16;
	v15 =	vmul.f32 $1.666666630e+00, v37  }
0x9c: {  	v13 =	vsub.f32 v28, v13;
	v12 =	vmul.f32 $1.666666630e+00, v38;
	v17 =	vmul.f32 $1.666666630e+00, v39  }
0x9d: {  	v18 =	vmul.f32 $1.666666630e+00, v40;
	v15 =	vmul.f32 $1.442695020e+00, v15  }
0x9e: {  	v13 =	vmul.f32 $1.666666630e+00, v13;
	v16 =	vmul.f32 $1.442695020e+00, v16  }
0x9f: {  	v17 =	vmul.f32 $1.442695020e+00, v17;
	(erf) = vpow2.f32 v15  }
0xa0: {  	v12 =	vmul.f32 $1.442695020e+00, v12;
	(erf) = vpow2.f32 v16  }
0xa1: {  	v18 =	vmul.f32 $1.442695020e+00, v18;
	(erf) = vpow2.f32 v17  }
0xa2: {  	(erf) = vpow2.f32 v12  }
0xa3: {  	v41 =	vmul.f32 $1.442695020e+00, v13;
	(erf) = vpow2.f32 v18;
	_ =	sdelay $0x1  }
0xa4: {  	v46 =	vld [tilespmem:s22+$0x300];
	(erf) = vpow2.f32 v41;
	_ =	sdelay $0x1  }
0xa5: {  	v21 =	vld [tilespmem:s22+$0x2180];
	v44 =	vpop (erf)  }
0xa6: {  	v42 =	vld [tilespmem:s22+$0x2000];
	vm6 =	vgt.f32 v2, v6;
	v47 =	vpop (erf)  }
0xa7: {  	v43 =	vld [tilespmem:s22+$0x2080];
	v2 =	vsel vm6, v2, v6;
	v49 =	vpop (erf)  }
0xa8: {  	v45 =	vld [tilespmem:s22+$0x2100];
	v25 =	vmul.f32 $3.000000120e-01, v46;
	vm7 =	vgt.f32 v59, v2;
	v50 =	vpop (erf)  }
0xa9: {  	v48 =	vld [tilespmem:s22+$0x2200];
	v58 =	vsel vm6, $0x1, v0;
	v2 =	vsel vm7, v59, v2;
	v3 =	vmul.f32 v44, v3;
	v23 =	vpop (erf)  }
0xaa: {  	v22 =	vld [tilespmem:s22+$0x380];
	v59 =	vadd.f32 $1.000000000e+00, v21;
	vm8 =	vgt.f32 v1, v2;
	v51 =	vmul.f32 v44, v61;
	v53 =	vpop (erf)  }
0xab: {  	v52 =	vld [tilespmem:s22+$0x2280];
	v5 =	vmul.f32 v44, v60;
	[tilespmem:s16+$0x4C00] =	vst v3;
	v3 =	vadd.f32 v50, v47;
	v24 =	vadd.f32 v53, v49  }
0xac: {  	v13 =	vmul.f32 $8.000000110e-01, v42;
	v1 =	vsel vm8, v1, v2;
	v54 =	vmul.f32 v44, v29;
	[tilespmem:s16+$0x4C80] =	vst v51;
	v55 =	vpop (erf)  }
0xad: {  	v56 =	vmul.f32 v44, v63;
	[tilespmem:s16+$0x4D00] =	vst v5;
	v57 =	vadd.f32 v55, v23;
	v3 =	vadd.f32 v24, v3  }
0xae: {  	vm9 =	vgt.f32 v62, v1;
	v15 =	vmul.f32 $4.000000060e-01, v43;
	v2 =	vmul.f32 v44, v32;
	[tilespmem:s16+$0x4D80] =	vst v54  }
0xaf: {  	v1 =	vsel vm9, v62, v1;
	v62 =	vmul.f32 $4.000000060e-01, v46;
	[tilespmem:s16+$0x4E00] =	vst v56;
	v3 =	vadd.f32 v3, v57  }
0xb0: {  	s30 =	sadd.s32 $0x10, s20;
	v16 =	vmul.f32 $8.999999760e-01, v45;
	vm10 =	vgt.f32 v28, v1;
	[tilespmem:s16+$0x4E80] =	vst v2;
	v2 =	vsel vm7, $0x2, v58  }
0xb1: {  	v1 =	vmul.f32 $2.500000000e+00, v21;
	v60 =	vld [tilespmem:s30+$0x0];
	v2 =	vsel vm8, $0x3, v2;
	(erf) = vrcp.f32 v3  }
0xb2: {  	v13 =	vadd.f32 v15, v13;
	vm0 =	vmneg vm10;
	v2 =	vsel vm9, $0x4, v2  }
0xb3: {  	v1 =	vadd.f32 v52, v1;
	v5 =	vmul.f32 v59, v22;
	v2 =	vnsel vm0, $0x5, v2  }
0xb4: {  	v61 =	vadd.f32 $-1.500000060e-01, v25;
	vm11 =	veq.s32 v2, $0x0;
	v3 =	vmul.f32 $2.000000030e-01, v48  }
0xb5: {  	vm12 =	veq.s32 v2, $0x1;
	vm13 =	veq.s32 v2, $0x2;
	v5 =	vnsel vm11, $0x0, v5  }
0xb6: {  	v4 =	vadd.f32 v60, v16;
	v5 =	vsel vm12, v61, v5;
	v3 =	vadd.f32 v3, v62  }
0xb7: {  	v1 =	vadd.f32 $-5.000000000e-01, v1;
	vm14 =	veq.s32 v2, $0x3;
	v5 =	vsel vm13, v13, v5  }
0xb8: {  	vm15 =	vmand vm9, vm0;
	v4 =	vsel vm14, v4, v5  }
0xb9: {  	v1 =	vsel vm15, v1, v4  }
0xba: {  	s31 =	sadd.s32 $0x10, s17;
	v1 =	vsel vm0, v1, v3;
	v3 =	vpop (erf)  }
0xbb: {  	[tilespmem:s31+$0x0] =	vst v1;
	v1 =	vmul.f32 v3, v47  }
0xbc: {  	[tilespmem:s18+$0x0] =	vst v2;
	v2 =	vmul.f32 v3, v50  }
0xbd: {  	v63 =	vmul.f32 v3, v49;
	[tilespmem:s22+$0x4C00] =	vst v1  }
0xbe: {  	[tilespmem:s22+$0x4C80] =	vst v2;
	v1 =	vmul.f32 v3, v53  }
0xbf: {  	[tilespmem:s22+$0x4D00] =	vst v63;
	v2 =	vmul.f32 v3, v23  }
0xc0: {  	[tilespmem:s22+$0x4D80] =	vst v1;
	v1 =	vmul.f32 v3, v55  }
0xc1: {  	[tilespmem:s22+$0x4E00] =	vst v2  }
0xc2: {  	[tilespmem:s22+$0x4E80] =	vst v1  }
0xc3: {  	[hbm4b:s5+s2] =	stream.linear.scatter [tilespmem:s12], [sflag:$0x1], $0x400, $0x38;
	[tilespmem:$0x6C00] =	vst v63  }
0xc4: {  	_ =	swait.ge [sflag:s11], $0x400  }
0xc5: {  	[sflag:s11] =	ssyncset.done $0x0  }
0xc6: {  	[sflag:s11] =	ssyncadd.s32 $0xFFFFFC00  }
0xc7: {  	[hbm4b:s6+s2] =	stream.linear.scatter [tilespmem:s13], [sflag:$0x1], $0x400, $0x38;
	[tilespmem:$0x6C00] =	vst v63  }
0xc8: {  	s15 =	sadd.s32 $0x1, s15;
	_ =	swait.ge [sflag:s11], $0x400  }
0xc9: {  	p0 =	sne.s32 s15, s8;
	[sflag:s11] =	ssyncset.done $0x0  }
.Ltmp1:
0xca: {  	[sflag:s11] =	ssyncadd.s32 $0xFFFFFC00;
	(pc) =	sbr.rel @p0 .LBB2_1-.Ltmp1, $4  }
0xcb: {  	[hbm4b:s7+s2] =	stream.linear.scatter [tilespmem:s14], [sflag:$0x1], $0x2000, $0x38;
	[tilespmem:$0x6C00] =	vst v63  }
0xcc: {  	_ =	swait.ge [sflag:s11], $0x2000  }
0xcd: {  	[sflag:s11] =	ssyncset.done $0x0  }
0xce: {  	[sflag:s11] =	ssyncadd.s32 $0xFFFFE000  }
0xcf: {  	_ =	sfence.sel $0x180000  }
0xd0: {  	[bflag:$0x0] =	sbarrier.arrive $0xFFFF  }
0xd1: {  	p0 =	sne.s32 s1, $0x0;
	_ =	strace $0x90000047  }
0xd2: {  	s0 =	sadd.s32 @!p0 $0x100000, s0;
	[bflag:$0x2] =	sbarrier.arrive $0xFFFF  }
0xd3: {  	[sflag:s0] =	ssyncadd.tile.s32 @!p0 $0x1;
	_ =	shalt  }
.Lfunc_end2:
_tile_overlayer_lowered:
.L_overlay_start_2:
0xd4: {  	(tag) =	ssettag $0x2  }
0xd5: {  	s0 =	rddreg [dreg:$0x0];
	s2 =	stileid.u32  }
0xd6: {  	s1 =	rddreg [dreg:$0x1];
	p0 =	sne.s32 s2, $0x0  }
0xd7: {  	s3 =	rddreg [dreg:$0x2];
	[bflag:$0x3] =	sbarrier.arrive $0xFFFF;
	s2 =	simm.s32 @!p0 $0x1C01  }
0xd8: {  	[timem:s3], [sflag:s2] =	dma.local @!p0 [hbm:s0], s1  }
0xd9: {  	s0 =	simm.s32 @!p0 $0x1  }
0xda: {  	_ =	swait.ge @!p0 [sflag:s0], s1  }
0xdb: {  	s1 =	ssub.s32 @!p0 $0x0, s1;
	[sflag:s0] =	ssyncset.done @!p0 $0x0  }
0xdc: {  	[sflag:s0] =	ssyncadd.s32 @!p0 s1  }
0xdd: {  	[bflag:$0x3] =	sbarrier.arrive $0xFFFF  }
0xde: {  	_ =	shalt  }

</sc_bundles>
